<compile_context>
chip_gen: v7x
topology: tpu7x:2x2x1
jax: 0.10.2.dev20260603
libtpu: 0.0.44.dev20260713+nightly
codegen_flags: <defaults>
</compile_context>

<pallas_src>
import functools

import jax
import jax.numpy as jnp
from jax import lax
from jax.experimental import pallas as pl
from jax.experimental.pallas import tpu as pltpu
from jax.experimental.pallas import tpu_sc as plsc

Q = 1024
D = 128
M = 100000
K = 32
BM = 1024
QT = 1024
QA = 256
NMB = (M + BM - 1) // BM

NEG = float("-inf")


def _topk_body(q_ref, kv_ref, idx_ref, run_vs, run_is, sv, done):
    mi = pl.program_id(0)
    qi = pl.program_id(1)
    run_v = run_vs.at[qi]
    run_i = run_is.at[qi]

    @pl.when(mi == 0)
    def _init():
        run_v[:] = jnp.full((QT, K), NEG, jnp.float32)
        run_i[:] = lax.broadcasted_iota(jnp.int32, (QT, K), 1)

    q = q_ref[:]
    qn = q / (jnp.sqrt(jnp.sum(q * q, axis=-1, keepdims=True)) + 1e-12)
    kb = kv_ref[:, 0, :]
    dots2 = lax.dot_general(qn + qn, kb, (((1,), (1,)), ((), ())),
                            preferred_element_type=jnp.float32)
    ksq = jnp.sum(kb * kb, axis=-1)
    negs = dots2 - ksq[None, :]
    sv[:] = negs

    @pl.when(mi == NMB - 1)
    def _mask_tail():
        tail = lax.broadcasted_iota(jnp.int32, (QT, BM), 1)
        sv[:] = jnp.where(tail >= M - (NMB - 1) * BM, NEG, sv[:])

    done[0] = 0

    iw = lax.broadcasted_iota(jnp.int32, (QT, BM), 1)

    def body(r, _):
        @pl.when(done[0] == 0)
        def _round():
            s = sv[:]
            maxv = jnp.max(s, axis=-1, keepdims=True)
            rv = run_v[:]
            rmin = jnp.min(rv, axis=-1, keepdims=True)
            imp = maxv > rmin
            nimp = jnp.max(imp.astype(jnp.int32))
            done[0] = 1 - nimp

            @pl.when(nimp == 1)
            def _insert():
                p = jnp.min(jnp.where(s == maxv, iw, BM), axis=-1,
                            keepdims=True)
                sv[:] = jnp.where(iw == p, NEG, s)
                ri = run_i[:]
                ismin = rv == rmin
                mri = jnp.max(jnp.where(ismin, ri, -1), axis=-1,
                              keepdims=True)
                repl = ismin & (ri == mri) & imp
                run_v[:] = jnp.where(repl, maxv, rv)
                run_i[:] = jnp.where(repl, mi * BM + p, run_i[:])

        return 0

    lax.fori_loop(0, K, body, 0, unroll=False)

    @pl.when(mi == NMB - 1)
    def _out():
        idx_ref[:] = run_i[:]


def _topk_call(queries, memory_kv):
    return pl.pallas_call(
        _topk_body,
        grid=(NMB, Q // QT),
        in_specs=[
            pl.BlockSpec((QT, D), lambda mi, qi: (qi, 0)),
            pl.BlockSpec((BM, 2, D), lambda mi, qi: (mi, 0, 0)),
        ],
        out_specs=pl.BlockSpec((QT, K), lambda mi, qi: (qi, 0)),
        out_shape=jax.ShapeDtypeStruct((Q, K), jnp.int32),
        scratch_shapes=[
            pltpu.VMEM((Q // QT, QT, K), jnp.float32),
            pltpu.VMEM((Q // QT, QT, K), jnp.int32),
            pltpu.VMEM((QT, BM), jnp.float32),
            pltpu.SMEM((1,), jnp.int32),
        ],
    )(queries, memory_kv)


NW = 32
ROWS = Q * K
RPW = ROWS // NW
CH = 128
NCH = RPW // CH


def _gather_call(table, idx):
    mesh = plsc.VectorSubcoreMesh(core_axis_name="c", subcore_axis_name="s")

    @functools.partial(
        pl.kernel,
        mesh=mesh,
        out_type=jax.ShapeDtypeStruct((ROWS, 2 * D), jnp.float32),
        scratch_types=[
            pltpu.VMEM((RPW,), jnp.int32),
            pltpu.VMEM((CH, 2 * D), jnp.float32),
            pltpu.VMEM((CH, 2 * D), jnp.float32),
            pltpu.SemaphoreType.DMA,
            pltpu.SemaphoreType.DMA,
        ],
    )
    def k(table_hbm, idx_hbm, out_hbm, idx_v, rows0, rows1, sem0, sem1):
        wid = lax.axis_index("s") * 2 + lax.axis_index("c")
        rows = (rows0, rows1)
        sems = (sem0, sem1)
        pltpu.sync_copy(idx_hbm.at[pl.ds(wid * RPW, RPW)], idx_v)
        cps = [None, None]
        cps[0] = pltpu.async_copy(
            table_hbm.at[idx_v.at[pl.ds(0, CH)]], rows0, sem0)
        for c in range(NCH):
            nxt = c + 1
            if nxt < NCH:
                cps[nxt % 2] = pltpu.async_copy(
                    table_hbm.at[idx_v.at[pl.ds(nxt * CH, CH)]],
                    rows[nxt % 2], sems[nxt % 2])
            cps[c % 2].wait()
            pltpu.sync_copy(rows[c % 2],
                            out_hbm.at[pl.ds(wid * RPW + c * CH, CH)])

    return k(table, idx)


def _attn_body(topk_ref, q_ref, kv_ref, out_ref):
    q = q_ref[:]
    qn = q / (jnp.sqrt(jnp.sum(q * q, axis=-1, keepdims=True)) + 1e-12)
    rk = kv_ref[:, :, :D]
    rv = kv_ref[:, :, D:]
    scale = 1.0 / jnp.sqrt(jnp.float32(D))
    logits = jnp.sum(qn[:, None, :] * rk, axis=-1) * scale
    valid = lax.broadcasted_iota(jnp.int32, (QA, K), 1) < topk_ref[0]
    logits = jnp.where(valid, logits, NEG)
    m = jnp.max(logits, axis=-1, keepdims=True)
    e = jnp.exp(logits - m)
    w = e / jnp.sum(e, axis=-1, keepdims=True)
    out_ref[:] = jnp.sum(w[:, :, None] * rv, axis=1)


def _attn_call(topk, queries, kv):
    return pl.pallas_call(
        _attn_body,
        grid=(Q // QA,),
        in_specs=[
            pl.BlockSpec(memory_space=pltpu.SMEM),
            pl.BlockSpec((QA, D), lambda qi: (qi, 0)),
            pl.BlockSpec((QA, K, 2 * D), lambda qi: (qi, 0, 0)),
        ],
        out_specs=pl.BlockSpec((QA, D), lambda qi: (qi, 0)),
        out_shape=jax.ShapeDtypeStruct((Q, D), jnp.float32),
    )(topk, queries, kv)


def kernel(queries, memory_kv, topk):
    idx = _topk_call(queries, memory_kv)
    table = memory_kv.reshape(M, 2 * D)
    kv = _gather_call(table, idx.reshape(ROWS)).reshape(Q, K, 2 * D)
    topk_arr = jnp.asarray(topk, jnp.int32).reshape(1)
    return _attn_call(topk_arr, queries, kv)

# --- scband reference (transcript-rebuilt; emitter-appended) ---
"""Pipeline reference for scband-memorizing-gpt-55379308314878 (READ-ONLY COPY).

The authoritative reference and input builder live on the scoring server;
editing this copy changes nothing except your own understanding.
"""

import jax, jax.numpy as jnp
import numpy as np


def setup_inputs(seed: int = 0) -> dict:
    key = jax.random.key(seed)
    k1, k2 = jax.random.split(key)
    queries = jax.random.normal(k1, (1024, 128), dtype=jnp.float32)
    # memory database: [max_memories, 2, n_embd] where [:,0]=keys, [:,1]=values (mirrors KNN.db memmap layout)
    memory_kv = jax.random.normal(k2, (100000, 2, 128), dtype=jnp.float32)
    return {"queries": queries, "memory_kv": memory_kv, "topk": 32}


def reference(queries, memory_kv, topk):
    # Faithful core of KNN.search (faiss IndexFlatL2 exact search) + KNNAttention memory attention.
    d = queries.shape[-1]
    TOPK = 32  # static top-k width; setup_inputs always passes topk=32
    # KNNAttention normalizes queries before search/attention (F.normalize)
    q = queries / (jnp.linalg.norm(queries, axis=-1, keepdims=True) + 1e-12)
    keys = memory_kv[:, 0, :]  # [M, d]
    # Exact L2 distance matrix (what IndexFlatL2 computes): ||q||^2 - 2 q.k + ||k||^2
    q_sq = jnp.sum(q * q, axis=-1, keepdims=True)          # [Q, 1]
    k_sq = jnp.sum(keys * keys, axis=-1)                   # [M]
    dots = q @ keys.T                                      # [Q, M]
    dist = q_sq - 2.0 * dots + k_sq[None, :]               # [Q, M]
    # top-k nearest neighbors (smallest L2 distance)
    _, idx = jax.lax.top_k(-dist, TOPK)                    # [Q, topk]
    # search_and_retrieve: gather (key, value) pairs from the memory db
    kv = jnp.take(memory_kv, idx, axis=0)                  # [Q, topk, 2, d]
    rk = kv[:, :, 0, :]                                    # retrieved keys   [Q, topk, d]
    rv = kv[:, :, 1, :]                                    # retrieved values [Q, topk, d]
    # attention over retrieved memories (memory branch of KNNAttention)
    scale = 1.0 / jnp.sqrt(jnp.float32(d))
    logits = jnp.einsum('qd,qkd->qk', q, rk) * scale       # [Q, topk]
    valid = jnp.arange(TOPK) < topk                        # [topk]
    logits = jnp.where(valid[None, :], logits, -jnp.inf)
    w = jax.nn.softmax(logits, axis=-1)
    out = jnp.einsum('qk,qkd->qd', w, rv)                  # [Q, d]
    return out

if __name__ == "__main__":
    import jax
    _d = setup_inputs()
    print(jax.jit(kernel)(*tuple(_d.values())))

</pallas_src>

<mosaic_0001>
#map = affine_map<(d0, d1) -> (0, 0)>
#map1 = affine_map<(d0, d1) -> (0)>
module attributes {stable_mosaic.version = 14 : i64} {
  func.func @k(%arg0: i32, %arg1: i32, %arg2: memref<100000x256xf32, #tpu.memory_space<hbm>>, %arg3: memref<32768xi32, #tpu.memory_space<hbm>>, %arg4: memref<32768x256xf32, #tpu.memory_space<hbm>>, %arg5: memref<1024xi32, #tpu.memory_space<vmem>>, %arg6: memref<128x256xf32, #tpu.memory_space<vmem>>, %arg7: memref<128x256xf32, #tpu.memory_space<vmem>>, %arg8: memref<!tpu.dma_semaphore, #tpu.memory_space<semaphore_mem>>, %arg9: memref<!tpu.dma_semaphore, #tpu.memory_space<semaphore_mem>>) attributes {dimension_semantics = [#tpu.dimension_semantics<core_parallel>, #tpu.dimension_semantics<subcore_parallel>], iteration_bounds = array<i64: 2, 16>, scalar_prefetch = 0 : i64, scratch_operands = 5 : i64, tpu.core_type = #tpu.core_type<sc_vector_subcore>, window_params = [{transform_indices = #map}, {transform_indices = #map1}, {transform_indices = #map}]} {
    %mul3A = arith.constant 2 : i32
    %mul3A_0 = arith.muli %arg1, %mul3A : i32
    %add3A = arith.addi %mul3A_0, %arg0 : i32
    %mul3A_1 = arith.constant 1024 : i32
    %mul3A_2 = arith.muli %add3A, %mul3A_1 : i32
    "tpu.region"() ({
      %run_scoped3A = tpu.sem_alloc : memref<!tpu.dma_semaphore, #tpu.memory_space<semaphore_mem>>
      %dma_start3A_113 = tpu.memref_slice %arg3[%mul3A_2] : memref<32768xi32, #tpu.memory_space<hbm>> -> memref<1024xi32, #tpu.memory_space<hbm>>
      %dma_start3A_114 = tpu.memref_slice %arg3[%mul3A_2] : memref<32768xi32, #tpu.memory_space<hbm>> -> memref<1024xi32, #tpu.memory_space<hbm>>
      tpu.enqueue_dma source(%dma_start3A_114 : memref<1024xi32, #tpu.memory_space<hbm>>) target(%arg5 : memref<1024xi32, #tpu.memory_space<vmem>>) target_semaphore(%run_scoped3A : memref<!tpu.dma_semaphore, #tpu.memory_space<semaphore_mem>>)
      %dma_wait3A_115 = tpu.memref_slice %arg3[%mul3A_2] : memref<32768xi32, #tpu.memory_space<hbm>> -> memref<1024xi32, #tpu.memory_space<hbm>>
      %dma_wait3A_116 = tpu.memref_slice %arg3[%mul3A_2] : memref<32768xi32, #tpu.memory_space<hbm>> -> memref<1024xi32, #tpu.memory_space<hbm>>
      tpu.wait_dma2 semaphore(%run_scoped3A : memref<!tpu.dma_semaphore, #tpu.memory_space<semaphore_mem>>) src(%dma_wait3A_116 : memref<1024xi32, #tpu.memory_space<hbm>>) dst(%arg5 : memref<1024xi32, #tpu.memory_space<vmem>>)
      tpu.yield
    }) : () -> ()
    %dma_start3A = arith.constant 0 : i32
    %dma_start3A_3 = tpu.memref_slice %arg5[%dma_start3A] : memref<1024xi32, #tpu.memory_space<vmem>> -> memref<128xi32, #tpu.memory_space<vmem>>
    %dma_start3A_4 = arith.constant 0 : i32
    %dma_start3A_5 = arith.constant 0 : i32
    %dma_start3A_6 = tpu.memref_slice %arg2[%dma_start3A_4, %dma_start3A_5] : memref<100000x256xf32, #tpu.memory_space<hbm>> -> memref<100000x256xf32, #tpu.memory_space<hbm>>
    tpu.enqueue_indirect_dma source(%dma_start3A_6 : memref<100000x256xf32, #tpu.memory_space<hbm>>) target(%arg6 : memref<128x256xf32, #tpu.memory_space<vmem>>) offsets(%dma_start3A_3 : memref<128xi32, #tpu.memory_space<vmem>>) semaphore(%arg8 : memref<!tpu.dma_semaphore, #tpu.memory_space<semaphore_mem>>)
    %dma_start3A_7 = arith.constant 128 : i32
    %dma_start3A_8 = tpu.memref_slice %arg5[%dma_start3A_7] : memref<1024xi32, #tpu.memory_space<vmem>> -> memref<128xi32, #tpu.memory_space<vmem>>
    %dma_start3A_9 = arith.constant 0 : i32
    %dma_start3A_10 = arith.constant 0 : i32
    %dma_start3A_11 = tpu.memref_slice %arg2[%dma_start3A_9, %dma_start3A_10] : memref<100000x256xf32, #tpu.memory_space<hbm>> -> memref<100000x256xf32, #tpu.memory_space<hbm>>
    tpu.enqueue_indirect_dma source(%dma_start3A_11 : memref<100000x256xf32, #tpu.memory_space<hbm>>) target(%arg7 : memref<128x256xf32, #tpu.memory_space<vmem>>) offsets(%dma_start3A_8 : memref<128xi32, #tpu.memory_space<vmem>>) semaphore(%arg9 : memref<!tpu.dma_semaphore, #tpu.memory_space<semaphore_mem>>)
    %dma_wait3A = arith.constant 0 : i32
    %dma_wait3A_12 = tpu.memref_slice %arg5[%dma_wait3A] : memref<1024xi32, #tpu.memory_space<vmem>> -> memref<128xi32, #tpu.memory_space<vmem>>
    %dma_wait3A_13 = arith.constant 0 : i32
    %dma_wait3A_14 = arith.constant 0 : i32
    %dma_wait3A_15 = tpu.memref_slice %arg2[%dma_wait3A_13, %dma_wait3A_14] : memref<100000x256xf32, #tpu.memory_space<hbm>> -> memref<100000x256xf32, #tpu.memory_space<hbm>>
    tpu.wait_indirect_dma semaphore(%arg8 : memref<!tpu.dma_semaphore, #tpu.memory_space<semaphore_mem>>) src(%dma_wait3A_15 : memref<100000x256xf32, #tpu.memory_space<hbm>>) dst(%arg6 : memref<128x256xf32, #tpu.memory_space<vmem>>)
    %mul3A_16 = arith.constant 1024 : i32
    %mul3A_17 = arith.muli %add3A, %mul3A_16 : i32
    %add3A_18 = arith.constant 0 : i32
    %add3A_19 = arith.addi %mul3A_17, %add3A_18 : i32
    "tpu.region"() ({
      %run_scoped3A = tpu.sem_alloc : memref<!tpu.dma_semaphore, #tpu.memory_space<semaphore_mem>>
      %dma_start3A_113 = arith.constant 0 : i32
      %dma_start3A_114 = tpu.memref_slice %arg4[%add3A_19, %dma_start3A_113] : memref<32768x256xf32, #tpu.memory_space<hbm>> -> memref<128x256xf32, #tpu.memory_space<hbm>>
      %dma_start3A_115 = arith.constant 0 : i32
      %dma_start3A_116 = tpu.memref_slice %arg4[%add3A_19, %dma_start3A_115] : memref<32768x256xf32, #tpu.memory_space<hbm>> -> memref<128x256xf32, #tpu.memory_space<hbm>>
      tpu.enqueue_dma source(%arg6 : memref<128x256xf32, #tpu.memory_space<vmem>>) target(%dma_start3A_116 : memref<128x256xf32, #tpu.memory_space<hbm>>) target_semaphore(%run_scoped3A : memref<!tpu.dma_semaphore, #tpu.memory_space<semaphore_mem>>)
      %dma_wait3A_117 = arith.constant 0 : i32
      %dma_wait3A_118 = tpu.memref_slice %arg4[%add3A_19, %dma_wait3A_117] : memref<32768x256xf32, #tpu.memory_space<hbm>> -> memref<128x256xf32, #tpu.memory_space<hbm>>
      %dma_wait3A_119 = arith.constant 0 : i32
      %dma_wait3A_120 = tpu.memref_slice %arg4[%add3A_19, %dma_wait3A_119] : memref<32768x256xf32, #tpu.memory_space<hbm>> -> memref<128x256xf32, #tpu.memory_space<hbm>>
      tpu.wait_dma2 semaphore(%run_scoped3A : memref<!tpu.dma_semaphore, #tpu.memory_space<semaphore_mem>>) src(%arg6 : memref<128x256xf32, #tpu.memory_space<vmem>>) dst(%dma_wait3A_120 : memref<128x256xf32, #tpu.memory_space<hbm>>)
      tpu.yield
    }) : () -> ()
    %dma_start3A_20 = arith.constant 256 : i32
    %dma_start3A_21 = tpu.memref_slice %arg5[%dma_start3A_20] : memref<1024xi32, #tpu.memory_space<vmem>> -> memref<128xi32, #tpu.memory_space<vmem>>
    %dma_start3A_22 = arith.constant 0 : i32
    %dma_start3A_23 = arith.constant 0 : i32
    %dma_start3A_24 = tpu.memref_slice %arg2[%dma_start3A_22, %dma_start3A_23] : memref<100000x256xf32, #tpu.memory_space<hbm>> -> memref<100000x256xf32, #tpu.memory_space<hbm>>
    tpu.enqueue_indirect_dma source(%dma_start3A_24 : memref<100000x256xf32, #tpu.memory_space<hbm>>) target(%arg6 : memref<128x256xf32, #tpu.memory_space<vmem>>) offsets(%dma_start3A_21 : memref<128xi32, #tpu.memory_space<vmem>>) semaphore(%arg8 : memref<!tpu.dma_semaphore, #tpu.memory_space<semaphore_mem>>)
    %dma_wait3A_25 = arith.constant 128 : i32
    %dma_wait3A_26 = tpu.memref_slice %arg5[%dma_wait3A_25] : memref<1024xi32, #tpu.memory_space<vmem>> -> memref<128xi32, #tpu.memory_space<vmem>>
    %dma_wait3A_27 = arith.constant 0 : i32
    %dma_wait3A_28 = arith.constant 0 : i32
    %dma_wait3A_29 = tpu.memref_slice %arg2[%dma_wait3A_27, %dma_wait3A_28] : memref<100000x256xf32, #tpu.memory_space<hbm>> -> memref<100000x256xf32, #tpu.memory_space<hbm>>
    tpu.wait_indirect_dma semaphore(%arg9 : memref<!tpu.dma_semaphore, #tpu.memory_space<semaphore_mem>>) src(%dma_wait3A_29 : memref<100000x256xf32, #tpu.memory_space<hbm>>) dst(%arg7 : memref<128x256xf32, #tpu.memory_space<vmem>>)
    %mul3A_30 = arith.constant 1024 : i32
    %mul3A_31 = arith.muli %add3A, %mul3A_30 : i32
    %add3A_32 = arith.constant 128 : i32
    %add3A_33 = arith.addi %mul3A_31, %add3A_32 : i32
    "tpu.region"() ({
      %run_scoped3A = tpu.sem_alloc : memref<!tpu.dma_semaphore, #tpu.memory_space<semaphore_mem>>
      %dma_start3A_113 = arith.constant 0 : i32
      %dma_start3A_114 = tpu.memref_slice %arg4[%add3A_33, %dma_start3A_113] : memref<32768x256xf32, #tpu.memory_space<hbm>> -> memref<128x256xf32, #tpu.memory_space<hbm>>
      %dma_start3A_115 = arith.constant 0 : i32
      %dma_start3A_116 = tpu.memref_slice %arg4[%add3A_33, %dma_start3A_115] : memref<32768x256xf32, #tpu.memory_space<hbm>> -> memref<128x256xf32, #tpu.memory_space<hbm>>
      tpu.enqueue_dma source(%arg7 : memref<128x256xf32, #tpu.memory_space<vmem>>) target(%dma_start3A_116 : memref<128x256xf32, #tpu.memory_space<hbm>>) target_semaphore(%run_scoped3A : memref<!tpu.dma_semaphore, #tpu.memory_space<semaphore_mem>>)
      %dma_wait3A_117 = arith.constant 0 : i32
      %dma_wait3A_118 = tpu.memref_slice %arg4[%add3A_33, %dma_wait3A_117] : memref<32768x256xf32, #tpu.memory_space<hbm>> -> memref<128x256xf32, #tpu.memory_space<hbm>>
      %dma_wait3A_119 = arith.constant 0 : i32
      %dma_wait3A_120 = tpu.memref_slice %arg4[%add3A_33, %dma_wait3A_119] : memref<32768x256xf32, #tpu.memory_space<hbm>> -> memref<128x256xf32, #tpu.memory_space<hbm>>
      tpu.wait_dma2 semaphore(%run_scoped3A : memref<!tpu.dma_semaphore, #tpu.memory_space<semaphore_mem>>) src(%arg7 : memref<128x256xf32, #tpu.memory_space<vmem>>) dst(%dma_wait3A_120 : memref<128x256xf32, #tpu.memory_space<hbm>>)
      tpu.yield
    }) : () -> ()
    %dma_start3A_34 = arith.constant 384 : i32
    %dma_start3A_35 = tpu.memref_slice %arg5[%dma_start3A_34] : memref<1024xi32, #tpu.memory_space<vmem>> -> memref<128xi32, #tpu.memory_space<vmem>>
    %dma_start3A_36 = arith.constant 0 : i32
    %dma_start3A_37 = arith.constant 0 : i32
    %dma_start3A_38 = tpu.memref_slice %arg2[%dma_start3A_36, %dma_start3A_37] : memref<100000x256xf32, #tpu.memory_space<hbm>> -> memref<100000x256xf32, #tpu.memory_space<hbm>>
    tpu.enqueue_indirect_dma source(%dma_start3A_38 : memref<100000x256xf32, #tpu.memory_space<hbm>>) target(%arg7 : memref<128x256xf32, #tpu.memory_space<vmem>>) offsets(%dma_start3A_35 : memref<128xi32, #tpu.memory_space<vmem>>) semaphore(%arg9 : memref<!tpu.dma_semaphore, #tpu.memory_space<semaphore_mem>>)
    %dma_wait3A_39 = arith.constant 256 : i32
    %dma_wait3A_40 = tpu.memref_slice %arg5[%dma_wait3A_39] : memref<1024xi32, #tpu.memory_space<vmem>> -> memref<128xi32, #tpu.memory_space<vmem>>
    %dma_wait3A_41 = arith.constant 0 : i32
    %dma_wait3A_42 = arith.constant 0 : i32
    %dma_wait3A_43 = tpu.memref_slice %arg2[%dma_wait3A_41, %dma_wait3A_42] : memref<100000x256xf32, #tpu.memory_space<hbm>> -> memref<100000x256xf32, #tpu.memory_space<hbm>>
    tpu.wait_indirect_dma semaphore(%arg8 : memref<!tpu.dma_semaphore, #tpu.memory_space<semaphore_mem>>) src(%dma_wait3A_43 : memref<100000x256xf32, #tpu.memory_space<hbm>>) dst(%arg6 : memref<128x256xf32, #tpu.memory_space<vmem>>)
    %mul3A_44 = arith.constant 1024 : i32
    %mul3A_45 = arith.muli %add3A, %mul3A_44 : i32
    %add3A_46 = arith.constant 256 : i32
    %add3A_47 = arith.addi %mul3A_45, %add3A_46 : i32
    "tpu.region"() ({
      %run_scoped3A = tpu.sem_alloc : memref<!tpu.dma_semaphore, #tpu.memory_space<semaphore_mem>>
      %dma_start3A_113 = arith.constant 0 : i32
      %dma_start3A_114 = tpu.memref_slice %arg4[%add3A_47, %dma_start3A_113] : memref<32768x256xf32, #tpu.memory_space<hbm>> -> memref<128x256xf32, #tpu.memory_space<hbm>>
      %dma_start3A_115 = arith.constant 0 : i32
      %dma_start3A_116 = tpu.memref_slice %arg4[%add3A_47, %dma_start3A_115] : memref<32768x256xf32, #tpu.memory_space<hbm>> -> memref<128x256xf32, #tpu.memory_space<hbm>>
      tpu.enqueue_dma source(%arg6 : memref<128x256xf32, #tpu.memory_space<vmem>>) target(%dma_start3A_116 : memref<128x256xf32, #tpu.memory_space<hbm>>) target_semaphore(%run_scoped3A : memref<!tpu.dma_semaphore, #tpu.memory_space<semaphore_mem>>)
      %dma_wait3A_117 = arith.constant 0 : i32
      %dma_wait3A_118 = tpu.memref_slice %arg4[%add3A_47, %dma_wait3A_117] : memref<32768x256xf32, #tpu.memory_space<hbm>> -> memref<128x256xf32, #tpu.memory_space<hbm>>
      %dma_wait3A_119 = arith.constant 0 : i32
      %dma_wait3A_120 = tpu.memref_slice %arg4[%add3A_47, %dma_wait3A_119] : memref<32768x256xf32, #tpu.memory_space<hbm>> -> memref<128x256xf32, #tpu.memory_space<hbm>>
      tpu.wait_dma2 semaphore(%run_scoped3A : memref<!tpu.dma_semaphore, #tpu.memory_space<semaphore_mem>>) src(%arg6 : memref<128x256xf32, #tpu.memory_space<vmem>>) dst(%dma_wait3A_120 : memref<128x256xf32, #tpu.memory_space<hbm>>)
      tpu.yield
    }) : () -> ()
    %dma_start3A_48 = arith.constant 512 : i32
    %dma_start3A_49 = tpu.memref_slice %arg5[%dma_start3A_48] : memref<1024xi32, #tpu.memory_space<vmem>> -> memref<128xi32, #tpu.memory_space<vmem>>
    %dma_start3A_50 = arith.constant 0 : i32
    %dma_start3A_51 = arith.constant 0 : i32
    %dma_start3A_52 = tpu.memref_slice %arg2[%dma_start3A_50, %dma_start3A_51] : memref<100000x256xf32, #tpu.memory_space<hbm>> -> memref<100000x256xf32, #tpu.memory_space<hbm>>
    tpu.enqueue_indirect_dma source(%dma_start3A_52 : memref<100000x256xf32, #tpu.memory_space<hbm>>) target(%arg6 : memref<128x256xf32, #tpu.memory_space<vmem>>) offsets(%dma_start3A_49 : memref<128xi32, #tpu.memory_space<vmem>>) semaphore(%arg8 : memref<!tpu.dma_semaphore, #tpu.memory_space<semaphore_mem>>)
    %dma_wait3A_53 = arith.constant 384 : i32
    %dma_wait3A_54 = tpu.memref_slice %arg5[%dma_wait3A_53] : memref<1024xi32, #tpu.memory_space<vmem>> -> memref<128xi32, #tpu.memory_space<vmem>>
    %dma_wait3A_55 = arith.constant 0 : i32
    %dma_wait3A_56 = arith.constant 0 : i32
    %dma_wait3A_57 = tpu.memref_slice %arg2[%dma_wait3A_55, %dma_wait3A_56] : memref<100000x256xf32, #tpu.memory_space<hbm>> -> memref<100000x256xf32, #tpu.memory_space<hbm>>
    tpu.wait_indirect_dma semaphore(%arg9 : memref<!tpu.dma_semaphore, #tpu.memory_space<semaphore_mem>>) src(%dma_wait3A_57 : memref<100000x256xf32, #tpu.memory_space<hbm>>) dst(%arg7 : memref<128x256xf32, #tpu.memory_space<vmem>>)
    %mul3A_58 = arith.constant 1024 : i32
    %mul3A_59 = arith.muli %add3A, %mul3A_58 : i32
    %add3A_60 = arith.constant 384 : i32
    %add3A_61 = arith.addi %mul3A_59, %add3A_60 : i32
    "tpu.region"() ({
      %run_scoped3A = tpu.sem_alloc : memref<!tpu.dma_semaphore, #tpu.memory_space<semaphore_mem>>
      %dma_start3A_113 = arith.constant 0 : i32
      %dma_start3A_114 = tpu.memref_slice %arg4[%add3A_61, %dma_start3A_113] : memref<32768x256xf32, #tpu.memory_space<hbm>> -> memref<128x256xf32, #tpu.memory_space<hbm>>
      %dma_start3A_115 = arith.constant 0 : i32
      %dma_start3A_116 = tpu.memref_slice %arg4[%add3A_61, %dma_start3A_115] : memref<32768x256xf32, #tpu.memory_space<hbm>> -> memref<128x256xf32, #tpu.memory_space<hbm>>
      tpu.enqueue_dma source(%arg7 : memref<128x256xf32, #tpu.memory_space<vmem>>) target(%dma_start3A_116 : memref<128x256xf32, #tpu.memory_space<hbm>>) target_semaphore(%run_scoped3A : memref<!tpu.dma_semaphore, #tpu.memory_space<semaphore_mem>>)
      %dma_wait3A_117 = arith.constant 0 : i32
      %dma_wait3A_118 = tpu.memref_slice %arg4[%add3A_61, %dma_wait3A_117] : memref<32768x256xf32, #tpu.memory_space<hbm>> -> memref<128x256xf32, #tpu.memory_space<hbm>>
      %dma_wait3A_119 = arith.constant 0 : i32
      %dma_wait3A_120 = tpu.memref_slice %arg4[%add3A_61, %dma_wait3A_119] : memref<32768x256xf32, #tpu.memory_space<hbm>> -> memref<128x256xf32, #tpu.memory_space<hbm>>
      tpu.wait_dma2 semaphore(%run_scoped3A : memref<!tpu.dma_semaphore, #tpu.memory_space<semaphore_mem>>) src(%arg7 : memref<128x256xf32, #tpu.memory_space<vmem>>) dst(%dma_wait3A_120 : memref<128x256xf32, #tpu.memory_space<hbm>>)
      tpu.yield
    }) : () -> ()
    %dma_start3A_62 = arith.constant 640 : i32
    %dma_start3A_63 = tpu.memref_slice %arg5[%dma_start3A_62] : memref<1024xi32, #tpu.memory_space<vmem>> -> memref<128xi32, #tpu.memory_space<vmem>>
    %dma_start3A_64 = arith.constant 0 : i32
    %dma_start3A_65 = arith.constant 0 : i32
    %dma_start3A_66 = tpu.memref_slice %arg2[%dma_start3A_64, %dma_start3A_65] : memref<100000x256xf32, #tpu.memory_space<hbm>> -> memref<100000x256xf32, #tpu.memory_space<hbm>>
    tpu.enqueue_indirect_dma source(%dma_start3A_66 : memref<100000x256xf32, #tpu.memory_space<hbm>>) target(%arg7 : memref<128x256xf32, #tpu.memory_space<vmem>>) offsets(%dma_start3A_63 : memref<128xi32, #tpu.memory_space<vmem>>) semaphore(%arg9 : memref<!tpu.dma_semaphore, #tpu.memory_space<semaphore_mem>>)
    %dma_wait3A_67 = arith.constant 512 : i32
    %dma_wait3A_68 = tpu.memref_slice %arg5[%dma_wait3A_67] : memref<1024xi32, #tpu.memory_space<vmem>> -> memref<128xi32, #tpu.memory_space<vmem>>
    %dma_wait3A_69 = arith.constant 0 : i32
    %dma_wait3A_70 = arith.constant 0 : i32
    %dma_wait3A_71 = tpu.memref_slice %arg2[%dma_wait3A_69, %dma_wait3A_70] : memref<100000x256xf32, #tpu.memory_space<hbm>> -> memref<100000x256xf32, #tpu.memory_space<hbm>>
    tpu.wait_indirect_dma semaphore(%arg8 : memref<!tpu.dma_semaphore, #tpu.memory_space<semaphore_mem>>) src(%dma_wait3A_71 : memref<100000x256xf32, #tpu.memory_space<hbm>>) dst(%arg6 : memref<128x256xf32, #tpu.memory_space<vmem>>)
    %mul3A_72 = arith.constant 1024 : i32
    %mul3A_73 = arith.muli %add3A, %mul3A_72 : i32
    %add3A_74 = arith.constant 512 : i32
    %add3A_75 = arith.addi %mul3A_73, %add3A_74 : i32
    "tpu.region"() ({
      %run_scoped3A = tpu.sem_alloc : memref<!tpu.dma_semaphore, #tpu.memory_space<semaphore_mem>>
      %dma_start3A_113 = arith.constant 0 : i32
      %dma_start3A_114 = tpu.memref_slice %arg4[%add3A_75, %dma_start3A_113] : memref<32768x256xf32, #tpu.memory_space<hbm>> -> memref<128x256xf32, #tpu.memory_space<hbm>>
      %dma_start3A_115 = arith.constant 0 : i32
      %dma_start3A_116 = tpu.memref_slice %arg4[%add3A_75, %dma_start3A_115] : memref<32768x256xf32, #tpu.memory_space<hbm>> -> memref<128x256xf32, #tpu.memory_space<hbm>>
      tpu.enqueue_dma source(%arg6 : memref<128x256xf32, #tpu.memory_space<vmem>>) target(%dma_start3A_116 : memref<128x256xf32, #tpu.memory_space<hbm>>) target_semaphore(%run_scoped3A : memref<!tpu.dma_semaphore, #tpu.memory_space<semaphore_mem>>)
      %dma_wait3A_117 = arith.constant 0 : i32
      %dma_wait3A_118 = tpu.memref_slice %arg4[%add3A_75, %dma_wait3A_117] : memref<32768x256xf32, #tpu.memory_space<hbm>> -> memref<128x256xf32, #tpu.memory_space<hbm>>
      %dma_wait3A_119 = arith.constant 0 : i32
      %dma_wait3A_120 = tpu.memref_slice %arg4[%add3A_75, %dma_wait3A_119] : memref<32768x256xf32, #tpu.memory_space<hbm>> -> memref<128x256xf32, #tpu.memory_space<hbm>>
      tpu.wait_dma2 semaphore(%run_scoped3A : memref<!tpu.dma_semaphore, #tpu.memory_space<semaphore_mem>>) src(%arg6 : memref<128x256xf32, #tpu.memory_space<vmem>>) dst(%dma_wait3A_120 : memref<128x256xf32, #tpu.memory_space<hbm>>)
      tpu.yield
    }) : () -> ()
    %dma_start3A_76 = arith.constant 768 : i32
    %dma_start3A_77 = tpu.memref_slice %arg5[%dma_start3A_76] : memref<1024xi32, #tpu.memory_space<vmem>> -> memref<128xi32, #tpu.memory_space<vmem>>
    %dma_start3A_78 = arith.constant 0 : i32
    %dma_start3A_79 = arith.constant 0 : i32
    %dma_start3A_80 = tpu.memref_slice %arg2[%dma_start3A_78, %dma_start3A_79] : memref<100000x256xf32, #tpu.memory_space<hbm>> -> memref<100000x256xf32, #tpu.memory_space<hbm>>
    tpu.enqueue_indirect_dma source(%dma_start3A_80 : memref<100000x256xf32, #tpu.memory_space<hbm>>) target(%arg6 : memref<128x256xf32, #tpu.memory_space<vmem>>) offsets(%dma_start3A_77 : memref<128xi32, #tpu.memory_space<vmem>>) semaphore(%arg8 : memref<!tpu.dma_semaphore, #tpu.memory_space<semaphore_mem>>)
    %dma_wait3A_81 = arith.constant 640 : i32
    %dma_wait3A_82 = tpu.memref_slice %arg5[%dma_wait3A_81] : memref<1024xi32, #tpu.memory_space<vmem>> -> memref<128xi32, #tpu.memory_space<vmem>>
    %dma_wait3A_83 = arith.constant 0 : i32
    %dma_wait3A_84 = arith.constant 0 : i32
    %dma_wait3A_85 = tpu.memref_slice %arg2[%dma_wait3A_83, %dma_wait3A_84] : memref<100000x256xf32, #tpu.memory_space<hbm>> -> memref<100000x256xf32, #tpu.memory_space<hbm>>
    tpu.wait_indirect_dma semaphore(%arg9 : memref<!tpu.dma_semaphore, #tpu.memory_space<semaphore_mem>>) src(%dma_wait3A_85 : memref<100000x256xf32, #tpu.memory_space<hbm>>) dst(%arg7 : memref<128x256xf32, #tpu.memory_space<vmem>>)
    %mul3A_86 = arith.constant 1024 : i32
    %mul3A_87 = arith.muli %add3A, %mul3A_86 : i32
    %add3A_88 = arith.constant 640 : i32
    %add3A_89 = arith.addi %mul3A_87, %add3A_88 : i32
    "tpu.region"() ({
      %run_scoped3A = tpu.sem_alloc : memref<!tpu.dma_semaphore, #tpu.memory_space<semaphore_mem>>
      %dma_start3A_113 = arith.constant 0 : i32
      %dma_start3A_114 = tpu.memref_slice %arg4[%add3A_89, %dma_start3A_113] : memref<32768x256xf32, #tpu.memory_space<hbm>> -> memref<128x256xf32, #tpu.memory_space<hbm>>
      %dma_start3A_115 = arith.constant 0 : i32
      %dma_start3A_116 = tpu.memref_slice %arg4[%add3A_89, %dma_start3A_115] : memref<32768x256xf32, #tpu.memory_space<hbm>> -> memref<128x256xf32, #tpu.memory_space<hbm>>
      tpu.enqueue_dma source(%arg7 : memref<128x256xf32, #tpu.memory_space<vmem>>) target(%dma_start3A_116 : memref<128x256xf32, #tpu.memory_space<hbm>>) target_semaphore(%run_scoped3A : memref<!tpu.dma_semaphore, #tpu.memory_space<semaphore_mem>>)
      %dma_wait3A_117 = arith.constant 0 : i32
      %dma_wait3A_118 = tpu.memref_slice %arg4[%add3A_89, %dma_wait3A_117] : memref<32768x256xf32, #tpu.memory_space<hbm>> -> memref<128x256xf32, #tpu.memory_space<hbm>>
      %dma_wait3A_119 = arith.constant 0 : i32
      %dma_wait3A_120 = tpu.memref_slice %arg4[%add3A_89, %dma_wait3A_119] : memref<32768x256xf32, #tpu.memory_space<hbm>> -> memref<128x256xf32, #tpu.memory_space<hbm>>
      tpu.wait_dma2 semaphore(%run_scoped3A : memref<!tpu.dma_semaphore, #tpu.memory_space<semaphore_mem>>) src(%arg7 : memref<128x256xf32, #tpu.memory_space<vmem>>) dst(%dma_wait3A_120 : memref<128x256xf32, #tpu.memory_space<hbm>>)
      tpu.yield
    }) : () -> ()
    %dma_start3A_90 = arith.constant 896 : i32
    %dma_start3A_91 = tpu.memref_slice %arg5[%dma_start3A_90] : memref<1024xi32, #tpu.memory_space<vmem>> -> memref<128xi32, #tpu.memory_space<vmem>>
    %dma_start3A_92 = arith.constant 0 : i32
    %dma_start3A_93 = arith.constant 0 : i32
    %dma_start3A_94 = tpu.memref_slice %arg2[%dma_start3A_92, %dma_start3A_93] : memref<100000x256xf32, #tpu.memory_space<hbm>> -> memref<100000x256xf32, #tpu.memory_space<hbm>>
    tpu.enqueue_indirect_dma source(%dma_start3A_94 : memref<100000x256xf32, #tpu.memory_space<hbm>>) target(%arg7 : memref<128x256xf32, #tpu.memory_space<vmem>>) offsets(%dma_start3A_91 : memref<128xi32, #tpu.memory_space<vmem>>) semaphore(%arg9 : memref<!tpu.dma_semaphore, #tpu.memory_space<semaphore_mem>>)
    %dma_wait3A_95 = arith.constant 768 : i32
    %dma_wait3A_96 = tpu.memref_slice %arg5[%dma_wait3A_95] : memref<1024xi32, #tpu.memory_space<vmem>> -> memref<128xi32, #tpu.memory_space<vmem>>
    %dma_wait3A_97 = arith.constant 0 : i32
    %dma_wait3A_98 = arith.constant 0 : i32
    %dma_wait3A_99 = tpu.memref_slice %arg2[%dma_wait3A_97, %dma_wait3A_98] : memref<100000x256xf32, #tpu.memory_space<hbm>> -> memref<100000x256xf32, #tpu.memory_space<hbm>>
    tpu.wait_indirect_dma semaphore(%arg8 : memref<!tpu.dma_semaphore, #tpu.memory_space<semaphore_mem>>) src(%dma_wait3A_99 : memref<100000x256xf32, #tpu.memory_space<hbm>>) dst(%arg6 : memref<128x256xf32, #tpu.memory_space<vmem>>)
    %mul3A_100 = arith.constant 1024 : i32
    %mul3A_101 = arith.muli %add3A, %mul3A_100 : i32
    %add3A_102 = arith.constant 768 : i32
    %add3A_103 = arith.addi %mul3A_101, %add3A_102 : i32
    "tpu.region"() ({
      %run_scoped3A = tpu.sem_alloc : memref<!tpu.dma_semaphore, #tpu.memory_space<semaphore_mem>>
      %dma_start3A_113 = arith.constant 0 : i32
      %dma_start3A_114 = tpu.memref_slice %arg4[%add3A_103, %dma_start3A_113] : memref<32768x256xf32, #tpu.memory_space<hbm>> -> memref<128x256xf32, #tpu.memory_space<hbm>>
      %dma_start3A_115 = arith.constant 0 : i32
      %dma_start3A_116 = tpu.memref_slice %arg4[%add3A_103, %dma_start3A_115] : memref<32768x256xf32, #tpu.memory_space<hbm>> -> memref<128x256xf32, #tpu.memory_space<hbm>>
      tpu.enqueue_dma source(%arg6 : memref<128x256xf32, #tpu.memory_space<vmem>>) target(%dma_start3A_116 : memref<128x256xf32, #tpu.memory_space<hbm>>) target_semaphore(%run_scoped3A : memref<!tpu.dma_semaphore, #tpu.memory_space<semaphore_mem>>)
      %dma_wait3A_117 = arith.constant 0 : i32
      %dma_wait3A_118 = tpu.memref_slice %arg4[%add3A_103, %dma_wait3A_117] : memref<32768x256xf32, #tpu.memory_space<hbm>> -> memref<128x256xf32, #tpu.memory_space<hbm>>
      %dma_wait3A_119 = arith.constant 0 : i32
      %dma_wait3A_120 = tpu.memref_slice %arg4[%add3A_103, %dma_wait3A_119] : memref<32768x256xf32, #tpu.memory_space<hbm>> -> memref<128x256xf32, #tpu.memory_space<hbm>>
      tpu.wait_dma2 semaphore(%run_scoped3A : memref<!tpu.dma_semaphore, #tpu.memory_space<semaphore_mem>>) src(%arg6 : memref<128x256xf32, #tpu.memory_space<vmem>>) dst(%dma_wait3A_120 : memref<128x256xf32, #tpu.memory_space<hbm>>)
      tpu.yield
    }) : () -> ()
    %dma_wait3A_104 = arith.constant 896 : i32
    %dma_wait3A_105 = tpu.memref_slice %arg5[%dma_wait3A_104] : memref<1024xi32, #tpu.memory_space<vmem>> -> memref<128xi32, #tpu.memory_space<vmem>>
    %dma_wait3A_106 = arith.constant 0 : i32
    %dma_wait3A_107 = arith.constant 0 : i32
    %dma_wait3A_108 = tpu.memref_slice %arg2[%dma_wait3A_106, %dma_wait3A_107] : memref<100000x256xf32, #tpu.memory_space<hbm>> -> memref<100000x256xf32, #tpu.memory_space<hbm>>
    tpu.wait_indirect_dma semaphore(%arg9 : memref<!tpu.dma_semaphore, #tpu.memory_space<semaphore_mem>>) src(%dma_wait3A_108 : memref<100000x256xf32, #tpu.memory_space<hbm>>) dst(%arg7 : memref<128x256xf32, #tpu.memory_space<vmem>>)
    %mul3A_109 = arith.constant 1024 : i32
    %mul3A_110 = arith.muli %add3A, %mul3A_109 : i32
    %add3A_111 = arith.constant 896 : i32
    %add3A_112 = arith.addi %mul3A_110, %add3A_111 : i32
    "tpu.region"() ({
      %run_scoped3A = tpu.sem_alloc : memref<!tpu.dma_semaphore, #tpu.memory_space<semaphore_mem>>
      %dma_start3A_113 = arith.constant 0 : i32
      %dma_start3A_114 = tpu.memref_slice %arg4[%add3A_112, %dma_start3A_113] : memref<32768x256xf32, #tpu.memory_space<hbm>> -> memref<128x256xf32, #tpu.memory_space<hbm>>
      %dma_start3A_115 = arith.constant 0 : i32
      %dma_start3A_116 = tpu.memref_slice %arg4[%add3A_112, %dma_start3A_115] : memref<32768x256xf32, #tpu.memory_space<hbm>> -> memref<128x256xf32, #tpu.memory_space<hbm>>
      tpu.enqueue_dma source(%arg7 : memref<128x256xf32, #tpu.memory_space<vmem>>) target(%dma_start3A_116 : memref<128x256xf32, #tpu.memory_space<hbm>>) target_semaphore(%run_scoped3A : memref<!tpu.dma_semaphore, #tpu.memory_space<semaphore_mem>>)
      %dma_wait3A_117 = arith.constant 0 : i32
      %dma_wait3A_118 = tpu.memref_slice %arg4[%add3A_112, %dma_wait3A_117] : memref<32768x256xf32, #tpu.memory_space<hbm>> -> memref<128x256xf32, #tpu.memory_space<hbm>>
      %dma_wait3A_119 = arith.constant 0 : i32
      %dma_wait3A_120 = tpu.memref_slice %arg4[%add3A_112, %dma_wait3A_119] : memref<32768x256xf32, #tpu.memory_space<hbm>> -> memref<128x256xf32, #tpu.memory_space<hbm>>
      tpu.wait_dma2 semaphore(%run_scoped3A : memref<!tpu.dma_semaphore, #tpu.memory_space<semaphore_mem>>) src(%arg7 : memref<128x256xf32, #tpu.memory_space<vmem>>) dst(%dma_wait3A_120 : memref<128x256xf32, #tpu.memory_space<hbm>>)
      tpu.yield
    }) : () -> ()
    return
  }
}

module attributes {stable_mosaic.version = 14 : i64} {
  func.func @_attn_body(%arg0: i32, %arg1: memref<1xi32, #tpu.memory_space<smem>>, %arg2: memref<256x128xf32, #tpu.memory_space<vmem>>, %arg3: memref<256x32x256xf32, #tpu.memory_space<vmem>>, %arg4: memref<256x128xf32, #tpu.memory_space<vmem>>) attributes {dimension_semantics = [#tpu.dimension_semantics<arbitrary>], iteration_bounds = array<i64: 4>, scalar_prefetch = 0 : i64, scratch_operands = 0 : i64, tpu.core_type = #tpu.core_type<tc>, window_params = [{transform_indices = @transform_0, window_bounds = array<i64: 1>}, {transform_indices = @transform_1, window_bounds = array<i64: 256, 128>}, {transform_indices = @transform_2, window_bounds = array<i64: 256, 32, 256>}, {transform_indices = @transform_3, window_bounds = array<i64: 256, 128>}]} {
    %get3A = arith.constant 0 : index
    %get3A_0 = arith.constant 0 : index
    %get3A_1 = vector.load %arg2[%get3A, %get3A_0] : memref<256x128xf32, #tpu.memory_space<vmem>>, vector<256x128xf32>
    %mul3A = arith.mulf %get3A_1, %get3A_1 : vector<256x128xf32>
    %reduce_sum3A = arith.constant dense<0.000000e+00> : vector<256xf32>
    %reduce_sum3A_2 = vector.multi_reduction <add>, %mul3A, %reduce_sum3A [1] : vector<256x128xf32> to vector<256xf32>
    %broadcast_in_dim3A = vector.shape_cast %reduce_sum3A_2 : vector<256xf32> to vector<256x1xf32>
    %sqrt3A = math.sqrt %broadcast_in_dim3A : vector<256x1xf32>
    %add3A = arith.constant 9.99999996E-13 : f32
    %add3A_3 = vector.broadcast %add3A : f32 to vector<256x1xf32>
    %add3A_4 = arith.addf %sqrt3A, %add3A_3 : vector<256x1xf32>
    %div3A = vector.broadcast %add3A_4 : vector<256x1xf32> to vector<256x128xf32>
    %div3A_5 = arith.divf %get3A_1, %div3A : vector<256x128xf32>
    %get3A_6 = arith.constant 0 : index
    %get3A_7 = arith.constant 0 : index
    %get3A_8 = arith.constant 0 : index
    %get3A_9 = vector.load %arg3[%get3A_6, %get3A_7, %get3A_8] : memref<256x32x256xf32, #tpu.memory_space<vmem>>, vector<256x32x128xf32>
    %get3A_10 = arith.constant 0 : index
    %get3A_11 = arith.constant 0 : index
    %get3A_12 = arith.constant 128 : index
    %get3A_13 = vector.load %arg3[%get3A_10, %get3A_11, %get3A_12] : memref<256x32x256xf32, #tpu.memory_space<vmem>>, vector<256x32x128xf32>
    %sqrt3A_14 = arith.constant 1.280000e+02 : f32
    %sqrt3A_15 = math.sqrt %sqrt3A_14 : f32
    %div3A_16 = arith.constant 1.000000e+00 : f32
    %div3A_17 = arith.divf %div3A_16, %sqrt3A_15 : f32
    %broadcast_in_dim3A_18 = vector.shape_cast %div3A_5 : vector<256x128xf32> to vector<256x1x128xf32>
    %mul3A_19 = vector.broadcast %broadcast_in_dim3A_18 : vector<256x1x128xf32> to vector<256x32x128xf32>
    %mul3A_20 = arith.mulf %mul3A_19, %get3A_9 : vector<256x32x128xf32>
    %reduce_sum3A_21 = arith.constant dense<0.000000e+00> : vector<256x32xf32>
    %reduce_sum3A_22 = vector.multi_reduction <add>, %mul3A_20, %reduce_sum3A_21 [2] : vector<256x32x128xf32> to vector<256x32xf32>
    %mul3A_23 = vector.broadcast %div3A_17 : f32 to vector<256x32xf32>
    %mul3A_24 = arith.mulf %reduce_sum3A_22, %mul3A_23 : vector<256x32xf32>
    %iota3A = tpu.iota {dimensions = array<i32: 1>} : vector<256x32xi32>
    %get3A_25 = arith.constant 0 : index
    %get3A_26 = memref.load %arg1[%get3A_25] : memref<1xi32, #tpu.memory_space<smem>>
    %lt3A = vector.broadcast %get3A_26 : i32 to vector<256x32xi32>
    %lt3A_27 = arith.cmpi slt, %iota3A, %lt3A : vector<256x32xi32>
    %jit3A = arith.constant 0xFF800000 : f32
    %broadcast_in_dim3A_28 = vector.broadcast %jit3A : f32 to vector<256x32xf32>
    %select_n3A = arith.select %lt3A_27, %mul3A_24, %broadcast_in_dim3A_28 : vector<256x32xi1>, vector<256x32xf32>
    %reduce_max3A = arith.constant dense<0xFF800000> : vector<256xf32>
    %reduce_max3A_29 = vector.multi_reduction <maximumf>, %select_n3A, %reduce_max3A [1] : vector<256x32xf32> to vector<256xf32>
    %broadcast_in_dim3A_30 = vector.shape_cast %reduce_max3A_29 : vector<256xf32> to vector<256x1xf32>
    %sub3A = vector.broadcast %broadcast_in_dim3A_30 : vector<256x1xf32> to vector<256x32xf32>
    %sub3A_31 = arith.subf %select_n3A, %sub3A : vector<256x32xf32>
    %exp3A = math.exp %sub3A_31 : vector<256x32xf32>
    %reduce_sum3A_32 = arith.constant dense<0.000000e+00> : vector<256xf32>
    %reduce_sum3A_33 = vector.multi_reduction <add>, %exp3A, %reduce_sum3A_32 [1] : vector<256x32xf32> to vector<256xf32>
    %broadcast_in_dim3A_34 = vector.shape_cast %reduce_sum3A_33 : vector<256xf32> to vector<256x1xf32>
    %div3A_35 = vector.broadcast %broadcast_in_dim3A_34 : vector<256x1xf32> to vector<256x32xf32>
    %div3A_36 = arith.divf %exp3A, %div3A_35 : vector<256x32xf32>
    %broadcast_in_dim3A_37 = vector.shape_cast %div3A_36 : vector<256x32xf32> to vector<256x32x1xf32>
    %mul3A_38 = vector.broadcast %broadcast_in_dim3A_37 : vector<256x32x1xf32> to vector<256x32x128xf32>
    %mul3A_39 = arith.mulf %mul3A_38, %get3A_13 : vector<256x32x128xf32>
    %reduce_sum3A_40 = arith.constant dense<0.000000e+00> : vector<256x128xf32>
    %reduce_sum3A_41 = vector.multi_reduction <add>, %mul3A_39, %reduce_sum3A_40 [1] : vector<256x32x128xf32> to vector<256x128xf32>
    %swap3A = arith.constant 0 : index
    %swap3A_42 = arith.constant 0 : index
    %swap3A_43 = vector.load %arg4[%swap3A, %swap3A_42] : memref<256x128xf32, #tpu.memory_space<vmem>>, vector<256x128xf32>
    tpu.vector_store %arg4[%swap3A, %swap3A_42], %reduce_sum3A_41 {strides = array<i32>} : memref<256x128xf32, #tpu.memory_space<vmem>>, vector<256x128xf32>,
    return
  }
  func.func @transform_0(%arg0: i32) -> i32 {
    %c0_i32 = arith.constant 0 : i32
    %c0_i32_0 = arith.constant 0 : i32
    return %c0_i32 : i32
  }
  func.func @transform_1(%arg0: i32) -> (i32, i32) {
    %c0_i32 = arith.constant 0 : i32
    %c0_i32_0 = arith.constant 0 : i32
    return %arg0, %c0_i32 : i32, i32
  }
  func.func @transform_2(%arg0: i32) -> (i32, i32, i32) {
    %c0_i32 = arith.constant 0 : i32
    %c0_i32_0 = arith.constant 0 : i32
    %c0_i32_1 = arith.constant 0 : i32
    return %arg0, %c0_i32, %c0_i32_0 : i32, i32, i32
  }
  func.func @transform_3(%arg0: i32) -> (i32, i32) {
    %c0_i32 = arith.constant 0 : i32
    %c0_i32_0 = arith.constant 0 : i32
    return %arg0, %c0_i32 : i32, i32
  }
}

module attributes {stable_mosaic.version = 14 : i64} {
  func.func @_topk_body(%arg0: i32, %arg1: i32, %arg2: memref<1024x128xf32, #tpu.memory_space<vmem>>, %arg3: memref<1024x2x128xf32, #tpu.memory_space<vmem>>, %arg4: memref<1024x32xi32, #tpu.memory_space<vmem>>, %arg5: memref<1x1024x32xf32, #tpu.memory_space<vmem>>, %arg6: memref<1x1024x32xi32, #tpu.memory_space<vmem>>, %arg7: memref<1024x1024xf32, #tpu.memory_space<vmem>>, %arg8: memref<1xi32, #tpu.memory_space<smem>>) attributes {dimension_semantics = [#tpu.dimension_semantics<arbitrary>, #tpu.dimension_semantics<arbitrary>], iteration_bounds = array<i64: 98, 1>, scalar_prefetch = 0 : i64, scratch_operands = 4 : i64, tpu.core_type = #tpu.core_type<tc>, window_params = [{transform_indices = @transform_0, window_bounds = array<i64: 1024, 128>}, {transform_indices = @transform_1, window_bounds = array<i64: 1024, 2, 128>}, {transform_indices = @transform_2, window_bounds = array<i64: 1024, 32>}]} {
    %eq3A = arith.constant 0 : i32
    %eq3A_0 = arith.cmpi eq, %arg0, %eq3A : i32
    %convert_element_type3A = arith.extui %eq3A_0 : i1 to i32
    %cond3A = arith.constant 0 : i32
    %cond3A_1 = arith.cmpi ne, %convert_element_type3A, %cond3A : i32
    scf.if %cond3A_1 {
      %broadcast_in_dim3A_38 = arith.constant 0xFF800000 : f32
      %broadcast_in_dim3A_39 = vector.broadcast %broadcast_in_dim3A_38 : f32 to vector<1024x32xf32>
      %swap3A_40 = arith.constant 0 : i32
      %swap3A_41 = arith.constant 0 : i32
      %swap3A_42 = tpu.memref_slice %arg5[%arg1, %swap3A_40, %swap3A_41] : memref<1x1024x32xf32, #tpu.memory_space<vmem>> -> memref<1x1024x32xf32, #tpu.memory_space<vmem>>
      %swap3A_43 = tpu.memref_squeeze %swap3A_42 : memref<1x1024x32xf32, #tpu.memory_space<vmem>> -> memref<1024x32xf32, #tpu.memory_space<vmem>>
      %swap3A_44 = arith.constant 0 : index
      %swap3A_45 = arith.constant 0 : index
      %swap3A_46 = vector.load %swap3A_43[%swap3A_44, %swap3A_45] : memref<1024x32xf32, #tpu.memory_space<vmem>>, vector<1024x32xf32>
      tpu.vector_store %swap3A_43[%swap3A_44, %swap3A_45], %broadcast_in_dim3A_39 {strides = array<i32>} : memref<1024x32xf32, #tpu.memory_space<vmem>>, vector<1024x32xf32>,
      %iota3A_47 = tpu.iota {dimensions = array<i32: 1>} : vector<1024x32xi32>
      %swap3A_48 = arith.constant 0 : i32
      %swap3A_49 = arith.constant 0 : i32
      %swap3A_50 = tpu.memref_slice %arg6[%arg1, %swap3A_48, %swap3A_49] : memref<1x1024x32xi32, #tpu.memory_space<vmem>> -> memref<1x1024x32xi32, #tpu.memory_space<vmem>>
      %swap3A_51 = tpu.memref_squeeze %swap3A_50 : memref<1x1024x32xi32, #tpu.memory_space<vmem>> -> memref<1024x32xi32, #tpu.memory_space<vmem>>
      %swap3A_52 = arith.constant 0 : index
      %swap3A_53 = arith.constant 0 : index
      %swap3A_54 = vector.load %swap3A_51[%swap3A_52, %swap3A_53] : memref<1024x32xi32, #tpu.memory_space<vmem>>, vector<1024x32xi32>
      tpu.vector_store %swap3A_51[%swap3A_52, %swap3A_53], %iota3A_47 {strides = array<i32>} : memref<1024x32xi32, #tpu.memory_space<vmem>>, vector<1024x32xi32>,
    } else {
    }
    %get3A = arith.constant 0 : index
    %get3A_2 = arith.constant 0 : index
    %get3A_3 = vector.load %arg2[%get3A, %get3A_2] : memref<1024x128xf32, #tpu.memory_space<vmem>>, vector<1024x128xf32>
    %mul3A = arith.mulf %get3A_3, %get3A_3 : vector<1024x128xf32>
    %reduce_sum3A = arith.constant dense<0.000000e+00> : vector<1024xf32>
    %reduce_sum3A_4 = vector.multi_reduction <add>, %mul3A, %reduce_sum3A [1] : vector<1024x128xf32> to vector<1024xf32>
    %broadcast_in_dim3A = vector.shape_cast %reduce_sum3A_4 : vector<1024xf32> to vector<1024x1xf32>
    %sqrt3A = math.sqrt %broadcast_in_dim3A : vector<1024x1xf32>
    %add3A = arith.constant 9.99999996E-13 : f32
    %add3A_5 = vector.broadcast %add3A : f32 to vector<1024x1xf32>
    %add3A_6 = arith.addf %sqrt3A, %add3A_5 : vector<1024x1xf32>
    %div3A = vector.broadcast %add3A_6 : vector<1024x1xf32> to vector<1024x128xf32>
    %div3A_7 = arith.divf %get3A_3, %div3A : vector<1024x128xf32>
    %get3A_8 = arith.constant 0 : index
    %get3A_9 = arith.constant 0 : index
    %get3A_10 = arith.constant 0 : index
    %get3A_11 = vector.load %arg3[%get3A_8, %get3A_9, %get3A_10] : memref<1024x2x128xf32, #tpu.memory_space<vmem>>, vector<1024x1x128xf32>
    %get3A_12 = vector.shape_cast %get3A_11 : vector<1024x1x128xf32> to vector<1024x128xf32>
    %add3A_13 = arith.addf %div3A_7, %div3A_7 : vector<1024x128xf32>
    %dot_general3A = arith.constant dense<0.000000e+00> : vector<1024x1024xf32>
    %dot_general3A_14 = tpu.matmul %add3A_13, %get3A_12, %dot_general3A {dimension_numbers = #tpu.dot_dimension_numbers<[1], [1], [0], [0], [0, 0, 1, 0], [], []>, transpose_lhs_hint = false} : vector<1024x128xf32>, vector<1024x128xf32>, vector<1024x1024xf32> -> vector<1024x1024xf32>
    %mul3A_15 = arith.mulf %get3A_12, %get3A_12 : vector<1024x128xf32>
    %reduce_sum3A_16 = arith.constant dense<0.000000e+00> : vector<1024xf32>
    %reduce_sum3A_17 = vector.multi_reduction <add>, %mul3A_15, %reduce_sum3A_16 [1] : vector<1024x128xf32> to vector<1024xf32>
    %broadcast_in_dim3A_18 = vector.shape_cast %reduce_sum3A_17 : vector<1024xf32> to vector<1x1024xf32>
    %sub3A = vector.broadcast %broadcast_in_dim3A_18 : vector<1x1024xf32> to vector<1024x1024xf32>
    %sub3A_19 = arith.subf %dot_general3A_14, %sub3A : vector<1024x1024xf32>
    %swap3A = arith.constant 0 : index
    %swap3A_20 = arith.constant 0 : index
    %swap3A_21 = vector.load %arg7[%swap3A, %swap3A_20] : memref<1024x1024xf32, #tpu.memory_space<vmem>>, vector<1024x1024xf32>
    tpu.vector_store %arg7[%swap3A, %swap3A_20], %sub3A_19 {strides = array<i32>} : memref<1024x1024xf32, #tpu.memory_space<vmem>>, vector<1024x1024xf32>,
    %eq3A_22 = arith.constant 97 : i32
    %eq3A_23 = arith.cmpi eq, %arg0, %eq3A_22 : i32
    %convert_element_type3A_24 = arith.extui %eq3A_23 : i1 to i32
    %cond3A_25 = arith.constant 0 : i32
    %cond3A_26 = arith.cmpi ne, %convert_element_type3A_24, %cond3A_25 : i32
    scf.if %cond3A_26 {
      %iota3A_38 = tpu.iota {dimensions = array<i32: 1>} : vector<1024x1024xi32>
      %ge3A = arith.constant 672 : i32
      %ge3A_39 = vector.broadcast %ge3A : i32 to vector<1024x1024xi32>
      %ge3A_40 = arith.cmpi sge, %iota3A_38, %ge3A_39 : vector<1024x1024xi32>
      %get3A_41 = arith.constant 0 : index
      %get3A_42 = arith.constant 0 : index
      %get3A_43 = vector.load %arg7[%get3A_41, %get3A_42] : memref<1024x1024xf32, #tpu.memory_space<vmem>>, vector<1024x1024xf32>
      %jit3A = arith.constant 0xFF800000 : f32
      %broadcast_in_dim3A_44 = vector.broadcast %jit3A : f32 to vector<1024x1024xf32>
      %select_n3A = arith.select %ge3A_40, %broadcast_in_dim3A_44, %get3A_43 : vector<1024x1024xi1>, vector<1024x1024xf32>
      %swap3A_45 = arith.constant 0 : index
      %swap3A_46 = arith.constant 0 : index
      %swap3A_47 = vector.load %arg7[%swap3A_45, %swap3A_46] : memref<1024x1024xf32, #tpu.memory_space<vmem>>, vector<1024x1024xf32>
      tpu.vector_store %arg7[%swap3A_45, %swap3A_46], %select_n3A {strides = array<i32>} : memref<1024x1024xf32, #tpu.memory_space<vmem>>, vector<1024x1024xf32>,
    } else {
    }
    %swap3A_27 = arith.constant 0 : i32
    %swap3A_28 = arith.constant 0 : index
    %swap3A_29 = memref.load %arg8[%swap3A_28] : memref<1xi32, #tpu.memory_space<smem>>
    memref.store %swap3A_27, %arg8[%swap3A_28] : memref<1xi32, #tpu.memory_space<smem>>
    %iota3A = tpu.iota {dimensions = array<i32: 1>} : vector<1024x1024xi32>
    %scan3A = arith.constant 0 : i32
    %scan3A_30 = arith.constant 32 : i32
    %scan3A_31 = arith.addi %scan3A, %scan3A_30 : i32
    %scan3A_32 = arith.constant 1 : i32
    scf.for %scan3A_38 = %scan3A to %scan3A_31 step %scan3A_32  : i32 {
      %get3A_39 = arith.constant 0 : index
      %get3A_40 = memref.load %arg8[%get3A_39] : memref<1xi32, #tpu.memory_space<smem>>
      %eq3A_41 = arith.constant 0 : i32
      %eq3A_42 = arith.cmpi eq, %get3A_40, %eq3A_41 : i32
      %convert_element_type3A_43 = arith.extui %eq3A_42 : i1 to i32
      %cond3A_44 = arith.constant 0 : i32
      %cond3A_45 = arith.cmpi ne, %convert_element_type3A_43, %cond3A_44 : i32
      scf.if %cond3A_45 {
        %get3A_46 = arith.constant 0 : index
        %get3A_47 = arith.constant 0 : index
        %get3A_48 = vector.load %arg7[%get3A_46, %get3A_47] : memref<1024x1024xf32, #tpu.memory_space<vmem>>, vector<1024x1024xf32>
        %reduce_max3A = arith.constant dense<0xFF800000> : vector<1024xf32>
        %reduce_max3A_49 = vector.multi_reduction <maximumf>, %get3A_48, %reduce_max3A [1] : vector<1024x1024xf32> to vector<1024xf32>
        %broadcast_in_dim3A_50 = vector.shape_cast %reduce_max3A_49 : vector<1024xf32> to vector<1024x1xf32>
        %get3A_51 = arith.constant 0 : i32
        %get3A_52 = arith.constant 0 : i32
        %get3A_53 = tpu.memref_slice %arg5[%arg1, %get3A_51, %get3A_52] : memref<1x1024x32xf32, #tpu.memory_space<vmem>> -> memref<1x1024x32xf32, #tpu.memory_space<vmem>>
        %get3A_54 = tpu.memref_squeeze %get3A_53 : memref<1x1024x32xf32, #tpu.memory_space<vmem>> -> memref<1024x32xf32, #tpu.memory_space<vmem>>
        %get3A_55 = arith.constant 0 : index
        %get3A_56 = arith.constant 0 : index
        %get3A_57 = vector.load %get3A_54[%get3A_55, %get3A_56] : memref<1024x32xf32, #tpu.memory_space<vmem>>, vector<1024x32xf32>
        %reduce_min3A = arith.constant dense<0x7F800000> : vector<1024xf32>
        %reduce_min3A_58 = vector.multi_reduction <minimumf>, %get3A_57, %reduce_min3A [1] : vector<1024x32xf32> to vector<1024xf32>
        %broadcast_in_dim3A_59 = vector.shape_cast %reduce_min3A_58 : vector<1024xf32> to vector<1024x1xf32>
        %gt3A = arith.cmpf ogt, %broadcast_in_dim3A_50, %broadcast_in_dim3A_59 : vector<1024x1xf32>
        %convert_element_type3A_60 = arith.extui %gt3A : vector<1024x1xi1> to vector<1024x1xi32>
        %reduce_max3A_61 = vector.shape_cast %convert_element_type3A_60 : vector<1024x1xi32> to vector<1x1024x1xi32>
        %reduce_max3A_62 = arith.constant dense<-2147483648> : vector<1xi32>
        %reduce_max3A_63 = vector.multi_reduction <maxsi>, %reduce_max3A_61, %reduce_max3A_62 [1, 2] : vector<1x1024x1xi32> to vector<1xi32>
        %reduce_max3A_64 = vector.shape_cast %reduce_max3A_63 : vector<1xi32> to vector<1x1x1xi32>
        %reduce_max3A_65 = vector.extract %reduce_max3A_64[0, 0, 0] : i32 from vector<1x1x1xi32>
        %sub3A_66 = arith.constant 1 : i32
        %sub3A_67 = arith.subi %sub3A_66, %reduce_max3A_65 : i32
        %swap3A_68 = arith.constant 0 : index
        %swap3A_69 = memref.load %arg8[%swap3A_68] : memref<1xi32, #tpu.memory_space<smem>>
        memref.store %sub3A_67, %arg8[%swap3A_68] : memref<1xi32, #tpu.memory_space<smem>>
        %eq3A_70 = arith.constant 1 : i32
        %eq3A_71 = arith.cmpi eq, %reduce_max3A_65, %eq3A_70 : i32
        %convert_element_type3A_72 = arith.extui %eq3A_71 : i1 to i32
        %cond3A_73 = arith.constant 0 : i32
        %cond3A_74 = arith.cmpi ne, %convert_element_type3A_72, %cond3A_73 : i32
        scf.if %cond3A_74 {
          %eq3A_75 = vector.broadcast %broadcast_in_dim3A_50 : vector<1024x1xf32> to vector<1024x1024xf32>
          %eq3A_76 = arith.cmpf oeq, %get3A_48, %eq3A_75 : vector<1024x1024xf32>
          %jit3A = arith.constant 1024 : i32
          %broadcast_in_dim3A_77 = vector.broadcast %jit3A : i32 to vector<1024x1024xi32>
          %select_n3A = arith.select %eq3A_76, %iota3A, %broadcast_in_dim3A_77 : vector<1024x1024xi1>, vector<1024x1024xi32>
          %reduce_min3A_78 = arith.constant dense<2147483647> : vector<1024xi32>
          %reduce_min3A_79 = vector.multi_reduction <minsi>, %select_n3A, %reduce_min3A_78 [1] : vector<1024x1024xi32> to vector<1024xi32>
          %broadcast_in_dim3A_80 = vector.shape_cast %reduce_min3A_79 : vector<1024xi32> to vector<1024x1xi32>
          %eq3A_81 = vector.broadcast %broadcast_in_dim3A_80 : vector<1024x1xi32> to vector<1024x1024xi32>
          %eq3A_82 = arith.cmpi eq, %iota3A, %eq3A_81 : vector<1024x1024xi32>
          %jit3A_83 = arith.constant 0xFF800000 : f32
          %broadcast_in_dim3A_84 = vector.broadcast %jit3A_83 : f32 to vector<1024x1024xf32>
          %select_n3A_85 = arith.select %eq3A_82, %broadcast_in_dim3A_84, %get3A_48 : vector<1024x1024xi1>, vector<1024x1024xf32>
          %swap3A_86 = arith.constant 0 : index
          %swap3A_87 = arith.constant 0 : index
          %swap3A_88 = vector.load %arg7[%swap3A_86, %swap3A_87] : memref<1024x1024xf32, #tpu.memory_space<vmem>>, vector<1024x1024xf32>
          tpu.vector_store %arg7[%swap3A_86, %swap3A_87], %select_n3A_85 {strides = array<i32>} : memref<1024x1024xf32, #tpu.memory_space<vmem>>, vector<1024x1024xf32>,
          %get3A_89 = arith.constant 0 : i32
          %get3A_90 = arith.constant 0 : i32
          %get3A_91 = tpu.memref_slice %arg6[%arg1, %get3A_89, %get3A_90] : memref<1x1024x32xi32, #tpu.memory_space<vmem>> -> memref<1x1024x32xi32, #tpu.memory_space<vmem>>
          %get3A_92 = tpu.memref_squeeze %get3A_91 : memref<1x1024x32xi32, #tpu.memory_space<vmem>> -> memref<1024x32xi32, #tpu.memory_space<vmem>>
          %get3A_93 = arith.constant 0 : index
          %get3A_94 = arith.constant 0 : index
          %get3A_95 = vector.load %get3A_92[%get3A_93, %get3A_94] : memref<1024x32xi32, #tpu.memory_space<vmem>>, vector<1024x32xi32>
          %eq3A_96 = vector.broadcast %broadcast_in_dim3A_59 : vector<1024x1xf32> to vector<1024x32xf32>
          %eq3A_97 = arith.cmpf oeq, %get3A_57, %eq3A_96 : vector<1024x32xf32>
          %jit3A_98 = arith.constant -1 : i32
          %broadcast_in_dim3A_99 = vector.broadcast %jit3A_98 : i32 to vector<1024x32xi32>
          %select_n3A_100 = arith.select %eq3A_97, %get3A_95, %broadcast_in_dim3A_99 : vector<1024x32xi1>, vector<1024x32xi32>
          %reduce_max3A_101 = arith.constant dense<-2147483648> : vector<1024xi32>
          %reduce_max3A_102 = vector.multi_reduction <maxsi>, %select_n3A_100, %reduce_max3A_101 [1] : vector<1024x32xi32> to vector<1024xi32>
          %broadcast_in_dim3A_103 = vector.shape_cast %reduce_max3A_102 : vector<1024xi32> to vector<1024x1xi32>
          %eq3A_104 = vector.broadcast %broadcast_in_dim3A_103 : vector<1024x1xi32> to vector<1024x32xi32>
          %eq3A_105 = arith.cmpi eq, %get3A_95, %eq3A_104 : vector<1024x32xi32>
          %and3A = arith.andi %eq3A_97, %eq3A_105 : vector<1024x32xi1>
          %and3A_106 = vector.broadcast %gt3A : vector<1024x1xi1> to vector<1024x32xi1>
          %and3A_107 = arith.andi %and3A, %and3A_106 : vector<1024x32xi1>
          %broadcast_in_dim3A_108 = vector.shape_cast %broadcast_in_dim3A_50 : vector<1024x1xf32> to vector<1024x1xf32>
          %broadcast_in_dim3A_109 = vector.broadcast %broadcast_in_dim3A_108 : vector<1024x1xf32> to vector<1024x32xf32>
          %select_n3A_110 = arith.select %and3A_107, %broadcast_in_dim3A_109, %get3A_57 : vector<1024x32xi1>, vector<1024x32xf32>
          %swap3A_111 = arith.constant 0 : i32
          %swap3A_112 = arith.constant 0 : i32
          %swap3A_113 = tpu.memref_slice %arg5[%arg1, %swap3A_111, %swap3A_112] : memref<1x1024x32xf32, #tpu.memory_space<vmem>> -> memref<1x1024x32xf32, #tpu.memory_space<vmem>>
          %swap3A_114 = tpu.memref_squeeze %swap3A_113 : memref<1x1024x32xf32, #tpu.memory_space<vmem>> -> memref<1024x32xf32, #tpu.memory_space<vmem>>
          %swap3A_115 = arith.constant 0 : index
          %swap3A_116 = arith.constant 0 : index
          %swap3A_117 = vector.load %swap3A_114[%swap3A_115, %swap3A_116] : memref<1024x32xf32, #tpu.memory_space<vmem>>, vector<1024x32xf32>
          tpu.vector_store %swap3A_114[%swap3A_115, %swap3A_116], %select_n3A_110 {strides = array<i32>} : memref<1024x32xf32, #tpu.memory_space<vmem>>, vector<1024x32xf32>,
          %mul3A_118 = arith.constant 1024 : i32
          %mul3A_119 = arith.muli %arg0, %mul3A_118 : i32
          %add3A_120 = vector.broadcast %mul3A_119 : i32 to vector<1024x1xi32>
          %add3A_121 = arith.addi %add3A_120, %broadcast_in_dim3A_80 : vector<1024x1xi32>
          %get3A_122 = arith.constant 0 : i32
          %get3A_123 = arith.constant 0 : i32
          %get3A_124 = tpu.memref_slice %arg6[%arg1, %get3A_122, %get3A_123] : memref<1x1024x32xi32, #tpu.memory_space<vmem>> -> memref<1x1024x32xi32, #tpu.memory_space<vmem>>
          %get3A_125 = tpu.memref_squeeze %get3A_124 : memref<1x1024x32xi32, #tpu.memory_space<vmem>> -> memref<1024x32xi32, #tpu.memory_space<vmem>>
          %get3A_126 = arith.constant 0 : index
          %get3A_127 = arith.constant 0 : index
          %get3A_128 = vector.load %get3A_125[%get3A_126, %get3A_127] : memref<1024x32xi32, #tpu.memory_space<vmem>>, vector<1024x32xi32>
          %broadcast_in_dim3A_129 = vector.shape_cast %add3A_121 : vector<1024x1xi32> to vector<1024x1xi32>
          %broadcast_in_dim3A_130 = vector.broadcast %broadcast_in_dim3A_129 : vector<1024x1xi32> to vector<1024x32xi32>
          %select_n3A_131 = arith.select %and3A_107, %broadcast_in_dim3A_130, %get3A_128 : vector<1024x32xi1>, vector<1024x32xi32>
          %swap3A_132 = arith.constant 0 : i32
          %swap3A_133 = arith.constant 0 : i32
          %swap3A_134 = tpu.memref_slice %arg6[%arg1, %swap3A_132, %swap3A_133] : memref<1x1024x32xi32, #tpu.memory_space<vmem>> -> memref<1x1024x32xi32, #tpu.memory_space<vmem>>
          %swap3A_135 = tpu.memref_squeeze %swap3A_134 : memref<1x1024x32xi32, #tpu.memory_space<vmem>> -> memref<1024x32xi32, #tpu.memory_space<vmem>>
          %swap3A_136 = arith.constant 0 : index
          %swap3A_137 = arith.constant 0 : index
          %swap3A_138 = vector.load %swap3A_135[%swap3A_136, %swap3A_137] : memref<1024x32xi32, #tpu.memory_space<vmem>>, vector<1024x32xi32>
          tpu.vector_store %swap3A_135[%swap3A_136, %swap3A_137], %select_n3A_131 {strides = array<i32>} : memref<1024x32xi32, #tpu.memory_space<vmem>>, vector<1024x32xi32>,
        } else {
        }
      } else {
      }
    }
    %eq3A_33 = arith.constant 97 : i32
    %eq3A_34 = arith.cmpi eq, %arg0, %eq3A_33 : i32
    %convert_element_type3A_35 = arith.extui %eq3A_34 : i1 to i32
    %cond3A_36 = arith.constant 0 : i32
    %cond3A_37 = arith.cmpi ne, %convert_element_type3A_35, %cond3A_36 : i32
    scf.if %cond3A_37 {
      %get3A_38 = arith.constant 0 : i32
      %get3A_39 = arith.constant 0 : i32
      %get3A_40 = tpu.memref_slice %arg6[%arg1, %get3A_38, %get3A_39] : memref<1x1024x32xi32, #tpu.memory_space<vmem>> -> memref<1x1024x32xi32, #tpu.memory_space<vmem>>
      %get3A_41 = tpu.memref_squeeze %get3A_40 : memref<1x1024x32xi32, #tpu.memory_space<vmem>> -> memref<1024x32xi32, #tpu.memory_space<vmem>>
      %get3A_42 = arith.constant 0 : index
      %get3A_43 = arith.constant 0 : index
      %get3A_44 = vector.load %get3A_41[%get3A_42, %get3A_43] : memref<1024x32xi32, #tpu.memory_space<vmem>>, vector<1024x32xi32>
      %swap3A_45 = arith.constant 0 : index
      %swap3A_46 = arith.constant 0 : index
      %swap3A_47 = vector.load %arg4[%swap3A_45, %swap3A_46] : memref<1024x32xi32, #tpu.memory_space<vmem>>, vector<1024x32xi32>
      tpu.vector_store %arg4[%swap3A_45, %swap3A_46], %get3A_44 {strides = array<i32>} : memref<1024x32xi32, #tpu.memory_space<vmem>>, vector<1024x32xi32>,
    } else {
    }
    return
  }
  func.func @transform_0(%arg0: i32, %arg1: i32) -> (i32, i32) {
    %c0_i32 = arith.constant 0 : i32
    %c0_i32_0 = arith.constant 0 : i32
    return %arg1, %c0_i32 : i32, i32
  }
  func.func @transform_1(%arg0: i32, %arg1: i32) -> (i32, i32, i32) {
    %c0_i32 = arith.constant 0 : i32
    %c0_i32_0 = arith.constant 0 : i32
    %c0_i32_1 = arith.constant 0 : i32
    return %arg0, %c0_i32, %c0_i32_0 : i32, i32, i32
  }
  func.func @transform_2(%arg0: i32, %arg1: i32) -> (i32, i32) {
    %c0_i32 = arith.constant 0 : i32
    %c0_i32_0 = arith.constant 0 : i32
    return %arg1, %c0_i32 : i32, i32
  }
}

</mosaic_0001>

<sc_bundles>
// kernel: kernel.5.cloned.1.call-start
scs
__scs_entry_jumppad:
0x0: {  	(pc) =	sbr.rel $0x88, $3  }
0x1: {  	(tag) =	ssettag $0x0;
	lr =	simm.s32 $0x1  }
0x2: {  	[smem:$0x3F9E] =	sst lr;
	_ =	strace $0xD0000000  }
0x3: {  	_ = 	snop  }
0x4: {  	_ = 	snop  }
0x5: {  	_ = 	snop  }
0x6: {  	_ = 	snop  }
0x7: {  	_ = 	snop  }
__scs_overlays_trampoline_lowered:
0x8: {  	[smem:$0x3FAD] =	sst s0  }
0x9: {  	[smem:$0x3FAE] =	sst s1  }
0xa: {  	[smem:$0x3FAF] =	sst s2  }
0xb: {  	[smem:$0x3FB0] =	sst s3  }
0xc: {  	[smem:$0x3FB1] =	sst s4  }
0xd: {  	[smem:$0x3FB2] =	sst s5  }
0xe: {  	[smem:$0x3FB3] =	sst s6  }
0xf: {  	[smem:$0x3FB4] =	sst s7  }
0x10: {  	[smem:$0x3FB5] =	sst s8  }
0x11: {  	[smem:$0x3FB6] =	sst s9;
	s0 =	simm.s32 @!p0 $0x0  }
0x12: {  	s1 =	sld [smem:$0x3F9C];
	s0 =	simm.s32 @p0 $0x1  }
0x13: {  	[smem:$0x3FB7] =	sst s0;
	s0 =	simm.s32 @!p1 $0x0  }
0x14: {  	s2 =	sld [smem:$0x3F9B];
	s0 =	simm.s32 @p1 $0x1  }
0x15: {  	[smem:$0x3FB8] =	sst s0;
	s0 =	simm.s32 @!p2 $0x0  }
0x16: {  	s3 =	sld [smem:$0x3FDB];
	s0 =	simm.s32 @p2 $0x1  }
0x17: {  	s4 =	simm.s32 $0x1BF5;
	[smem:$0x3FBA] =	sst s0  }
0x18: {  	s0 =	sld [smem:$0x3F9D];
	_ =	swait.ge [sflag:s4], $0x0  }
0x19: {  	s7 =	sld [smem:$0x3F9E]  }
0x1a: {  	s8 =	sadd.s32 $0xFFFFE003, lr  }
0x1b: {  	s9 =	sadd.s32 $0xFFFFFEF7, lr;
	s5 =	simm.s32 $0xFFFFFFFF;
	p2 =	slt.u32 s8, $0xFFFFF086  }
0x1c: {  	p1 =	slt.u32 s9, $0xF7A;
	s5 =	simm.s32 @!p2 $0x0  }
0x1d: {  	s5 =	simm.s32 @p1 $0x1;
	p0 =	seq.s32 s7, s2  }
0x1e: {  	s7 =	smul.u32 @!p0 $0xF7A, s2;
	p2 =	seq.s32 @!p0 s5, $0x0  }
0x1f: {  	s9 =	smul.u32 $0xF7A, s1;
	s8 =	simm.s32 @!p0 $0x1BF5;
	p2 =	por !p2, p0  }
0x20: {  	[sflag:s8] =	ssyncset.s32 @!p0 $0xFFFFF086;
	s6 =	sadd.s32 @!p0 s3, s7;
	s7 =	simm.s32 @!p0 $0x108  }
0x21: {  	s3 =	sadd.s32 s3, s9;
	s6 =	sadd.s32 @!p0 $0x88, s6;
	s7 =	simm.s32 @p2 $0x1082  }
0x22: {  	[simem:s7], [sflag:s8] =	dma.local @!p0 [hbm:s6], $0xF7A  }
0x23: {  	s9 =	sor.u32 $0xD0000000, s2;
	s6 =	simm.s32 $0x108;
	_ =	swait.ge @!p0 [sflag:s8], $0x0  }
0x24: {  	s3 =	sadd.s32 $0x88, s3;
	s6 =	simm.s32 @!p1 $0x1082;
	[sflag:s4] =	ssyncset.s32 $0xFFFFF086  }
0x25: {  	[simem:s6], [sflag:s4] =	dma.local [hbm:s3], $0xF7A  }
0x26: {  	[smem:$0x3F9E] =	sst s1;
	(tag) =	ssettag s2;
	_ =	strace s9  }
0x27: {  	s1 =	sld [smem:$0x3FAE]  }
0x28: {  	s2 =	sld [smem:$0x3FAF]  }
0x29: {  	s4 =	sld [smem:$0x3FB1]  }
0x2a: {  	p0 =	seq.s32 s5, $0x0;
	s5 =	sld [smem:$0x3FB2]  }
0x2b: {  	s6 =	sld [smem:$0x3FB3]  }
0x2c: {  	s7 =	sld [smem:$0x3FB4]  }
0x2d: {  	s3 =	simm.s32 $0x108;
	s8 =	sld [smem:$0x3FB5]  }
0x2e: {  	s3 =	simm.s32 @!p0 $0x1082;
	s9 =	sld [smem:$0x3FB6]  }
0x2f: {  	lr =	sadd.s32 s0, s3;
	s0 =	sld [smem:$0x3FAD]  }
0x30: {  	s3 =	sld [smem:$0x3FB0]  }
0x31: {  	[smem:$0x3FB9] =	sst s10  }
0x32: {  	s10 =	sld [smem:$0x3FB7];
	_ =	sdelay $0x3  }
0x33: {  	p0 =	seq.s32 s10, $0x1;
	s10 =	sld [smem:$0x3FB9];
	_ =	sdelay $0x3  }
0x34: {  	[smem:$0x3FB9] =	sst s10  }
0x35: {  	s10 =	sld [smem:$0x3FB8];
	_ =	sdelay $0x3  }
0x36: {  	p1 =	seq.s32 s10, $0x1;
	s10 =	sld [smem:$0x3FB9];
	_ =	sdelay $0x3  }
0x37: {  	[smem:$0x3FB9] =	sst s10  }
0x38: {  	s10 =	sld [smem:$0x3FBA]  }
0x39: {  	_ = 	snop;
	(pc) =	sbr.ind lr, $3  }
0x3a: {  	_ = 	snop  }
0x3b: {  	_ = 	snop  }
0x3c: {  	p2 =	seq.s32 s10, $0x1;
	s10 =	sld [smem:$0x3FB9]  }
0x3d: {  	_ =	shalt  }
0x3e: {  	_ =	shalt  }
0x3f: {  	_ =	shalt  }
0x40: {  	_ =	shalt  }
0x41: {  	_ =	shalt  }
0x42: {  	_ =	shalt  }
0x43: {  	_ =	shalt  }
0x44: {  	_ =	shalt  }
0x45: {  	_ =	shalt  }
0x46: {  	_ =	shalt  }
0x47: {  	_ =	shalt  }
0x48: {  	_ =	shalt  }
0x49: {  	_ =	shalt  }
0x4a: {  	_ =	shalt  }
0x4b: {  	_ =	shalt  }
0x4c: {  	_ =	shalt  }
0x4d: {  	_ =	shalt  }
0x4e: {  	_ =	shalt  }
0x4f: {  	_ =	shalt  }
0x50: {  	_ =	shalt  }
0x51: {  	_ =	shalt  }
0x52: {  	_ =	shalt  }
0x53: {  	_ =	shalt  }
0x54: {  	_ =	shalt  }
0x55: {  	_ =	shalt  }
0x56: {  	_ =	shalt  }
0x57: {  	_ =	shalt  }
0x58: {  	_ =	shalt  }
0x59: {  	_ =	shalt  }
0x5a: {  	_ =	shalt  }
0x5b: {  	_ =	shalt  }
0x5c: {  	_ =	shalt  }
0x5d: {  	_ =	shalt  }
0x5e: {  	_ =	shalt  }
0x5f: {  	_ =	shalt  }
0x60: {  	_ =	shalt  }
0x61: {  	_ =	shalt  }
0x62: {  	_ =	shalt  }
0x63: {  	_ =	shalt  }
0x64: {  	_ =	shalt  }
0x65: {  	_ =	shalt  }
0x66: {  	_ =	shalt  }
0x67: {  	_ =	shalt  }
0x68: {  	_ =	shalt  }
0x69: {  	_ =	shalt  }
0x6a: {  	_ =	shalt  }
0x6b: {  	_ =	shalt  }
0x6c: {  	_ =	shalt  }
0x6d: {  	_ =	shalt  }
0x6e: {  	_ =	shalt  }
0x6f: {  	_ =	shalt  }
0x70: {  	_ =	shalt  }
0x71: {  	_ =	shalt  }
0x72: {  	_ =	shalt  }
0x73: {  	_ =	shalt  }
0x74: {  	_ =	shalt  }
0x75: {  	_ =	shalt  }
0x76: {  	_ =	shalt  }
0x77: {  	_ =	shalt  }
0x78: {  	_ =	shalt  }
0x79: {  	_ =	shalt  }
0x7a: {  	_ =	shalt  }
0x7b: {  	_ =	shalt  }
0x7c: {  	_ =	shalt  }
0x7d: {  	_ =	shalt  }
0x7e: {  	_ =	shalt  }
0x7f: {  	_ =	shalt  }
0x80: {  	_ =	shalt  }
0x81: {  	_ =	shalt  }
0x82: {  	_ =	shalt  }
0x83: {  	_ =	shalt  }
0x84: {  	_ =	shalt  }
0x85: {  	_ =	shalt  }
0x86: {  	_ =	shalt  }
0x87: {  	_ =	shalt  }
.Lfunc_end0:
.L_simem_size_0:
called_computation.1_lowered:
.L_overlay_start_0:
0x88: {  	s2 =	sld [smem:$0x3FD9]  }
0x89: {  	s3 =	sld [smem:$0x3FFE];
	_ =	sdelay $0x1  }
0x8a: {  	s1 =	srdreg.scid  }
0x8b: {  	s0 =	sand.u32 $0x1, s1  }
0x8c: {  	s17 =	sshll.u32 s0, $0xA;
	s2 =	sadd.s32 s3, s2  }
0x8d: {  	s2 =	sadd.s32 s2, s17  }
0x8e: {  	[smem:$0x3FC5] =	sst s2  }
0x8f: {  	_ = 	snop  }
0x90: {  	s2 =	sld [smem:$0x3FD0];
	(tm) =	ssettm $0x1  }
0x91: {  	s18 =	sld [smem:$0x3FFB];
	_ =	sdelay $0x3  }
0x92: {  	_ =	strace s18  }
0x93: {  	s3 =	sld [smem:$0x3FFC];
	_ =	sdelay $0x3  }
0x94: {  	_ =	strace s3  }
0x95: {  	s3 =	sld [smem:$0x3FFD];
	_ =	sdelay $0x3  }
0x96: {  	_ =	strace s3  }
0x97: {  	_ =	strace $0x8FFFFFFF  }
0x98: {  	s19 =	sld [smem:$0x3FDB];
	_ =	sdelay $0x1  }
0x99: {  	s4 =	simm.s32 $_scs_section_size  }
0x9a: {  	s5 =	simm.s32 $_size__tile_overlayer_lowered;
	s6 =	simm.s32 $_tile_overlayer_lowered  }
0x9b: {  	s22 =	simm.s32 $0x1BFF;
	s21 =	sshll.u32 s6, $0x1;
	s3 =	sadd.s32 s4, s19  }
0x9c: {  	s7 =	simm.s32 $0x0;
	s20 =	sshll.u32 s5, $0x1;
	s5 =	sadd.s32 s21, s3  }
0x9d: {  	[timem:s7], [sflag:s22] =	dma.local [hbm:s5], s20  }
0x9e: {  	_ =	swait.ge [sflag:s22], s20  }
0x9f: {  	s4 =	ssub.s32 $0x0, s20;
	[sflag:s22] =	ssyncset.done $0x0  }
0xa0: {  	[sflag:s22] =	ssyncadd.s32 s4;
	_ =	sdelay $0x1  }
0xa1: {  	s23 =	simm.s32 $0x1B8B  }
0xa2: {  	_ =	swait.ge [sflag:s23], $0x1  }
0xa3: {  	[sflag:s23] =	ssyncset.done $0x0  }
0xa4: {  	s25 =	simm.s32 $0x1B8E;
	s24 =	sld [smem:$0x3FFE];
	[sflag:s23] =	ssyncadd.s32 $0xFFFFFFFF  }
0xa5: {  	s26 =	simm.s32 $execute0_lowered;
	[smem:$0x3FD2] =	sst s25  }
0xa6: {  	s5 =	sshll.u32 s26, $0x1;
	_ =	strace $0x80000049;
	[dreg:$0x1] =	wrdreg $0xFFFFFFFF  }
0xa7: {  	s28 =	simm.s32 $_size_execute0_lowered;
	s3 =	sadd.s32 s3, s5;
	[dreg:$0x0] =	wrdreg $0x0  }
0xa8: {  	s5 =	sshll.u32 s28, $0x1;
	[dreg:$0x2] =	wrdreg s3  }
0xa9: {  	[dreg:$0x3] =	wrdreg s5  }
0xaa: {  	[dreg:$0x4] =	wrdreg $0xC0  }
0xab: {  	_ =	task [dreg:s7], $0x5FFFF  }
0xac: {  	[dreg:$0x1] =	wrdreg $0xFFFFFFFF  }
0xad: {  	[dreg:$0x0] =	wrdreg $0x60  }
0xae: {  	[dreg:$0x2] =	wrdreg s24  }
0xaf: {  	[dreg:$0x3] =	wrdreg s2  }
0xb0: {  	[dreg:$0x4] =	wrdreg $0x9  }
0xb1: {  	_ =	task.clear_ibuf [dreg:s7], $0x5FFFF;
	_ =	strace $0x90000049  }
0xb2: {  	s29 =	simm.s32 $0x9;
	_ =	strace $0x8000004B  }
0xb3: {  	_ =	swait.ge [sflag:s29], $0x1  }
0xb4: {  	[sflag:s29] =	ssyncadd.s32 $0xFFFFFFFF  }
0xb5: {  	_ =	strace $0x9000004B  }
0xb6: {  	_ =	sfence  }
0xb7: {  	s30 =	sld [smem:$0x0];
	_ =	sdelay $0x2  }
0xb8: {  	s31 =	sshll.u32 s1, $0xD;
	s1 =	sshrl.u32 s1, $0x2  }
0xb9: {  	s3 =	sand.u32 $0x4000, s31;
	s1 =	sadd.s32 s1, s30  }
0xba: {  	s0 =	sor.u32 s3, s0;
	s1 =	sshll.u32 s1, $0x11  }
0xbb: {  	s0 =	sor.u32 s1, s0  }
0xbc: {  	s0 =	sadd.s32 $0x8F2B, s0  }
0xbd: {  	[sflag:s0] =	ssyncadd.remote.s32 $0x1  }
0xbe: {  	_ =	sfence.sel $0xFFFF  }
0xbf: {  	[dreg:$0x0] =	wrdreg $0xFFFFFFFF;
	(pc) =	sbr.abs _section_cstart, $3  }
0xc0: {  	[dreg:$0x1] =	wrdreg $0xFFFFFFFF  }
0xc1: {  	_ =	task.clear_ibuf [dreg:s7], $0x2FFFF;
	_ =	strace $0x9FFFFFFF  }
0xc2: {  	(tm) =	ssettm $0x7FFFFFFF  }
0xc3: {  	_ =	shalt  }
tec
execute0_lowered:
.L_overlay_start_1:
0x0: {  	(tag) =	ssettag $0x1  }
0x1: {  	s0 =	srdreg.scid  }
0x2: {  	s2 =	stileid.u32;
	s0 =	sand.u32 $0x1, s0  }
0x3: {  	s1 =	rddreg [dreg:$0x0];
	s4 =	sshll.u32 s2, $0xB;
	s5 =	sshll.u32 s0, $0xA  }
0x4: {  	s3 =	rddreg [dreg:$0x1];
	s22 =	simm.s32 $0x8400;
	s4 =	sor.u32 s5, s4  }
0x5: {  	s2 =	simm.s32 $0x0;
	s5 =	sshll.u32 s4, $0x5;
	s4 =	sshrl.u32 s4, $0x3  }
0x6: {  	[smem:$0x7FF] =	sst s2;
	s5 =	sadd.s32 s5, s1;
	s3 =	sadd.s32 s3, s4  }
0x7: {  	_ =	strace $0x8000004A;
	[dreg:$0x3] =	wrdreg s3;
	s23 =	sadd.s32 $0x30DE00, s5  }
0x8: {  	s12 =	simm.s32 $0x1;
	s24 =	sadd.s32 $0x30EE00, s5;
	[dreg:$0x4] =	wrdreg s23  }
0x9: {  	s13 =	simm.s32 $0x2;
	s25 =	sadd.s32 $0x30FE00, s5;
	[dreg:$0x5] =	wrdreg s24  }
0xa: {  	s0 =	ssub.s32 $0x2, s0;
	s26 =	sadd.s32 $0x310E00, s5;
	[dreg:$0x6] =	wrdreg s25  }
0xb: {  	s31 =	sshrl.u32 s0, $0x1;
	s28 =	sadd.s32 $0x311E00, s5;
	[dreg:$0x7] =	wrdreg s26  }
0xc: {  	s0 =	ssub.s32 s0, s31;
	s29 =	sadd.s32 $0x312E00, s5;
	[dreg:$0x8] =	wrdreg s28  }
0xd: {  	v2 =	vlaneseq.u32;
	s4 =	smax.u32 s0, $0x1;
	s30 =	sadd.s32 $0x313E00, s5;
	[dreg:$0x9] =	wrdreg s29  }
0xe: {  	vm0 =	vmmov $0xffff;
	v1 =	vshrl.u32 v2, $0x3;
	s5 =	sadd.s32 $0x314E00, s5;
	s3 =	sadd.s32 $0xA00, s1;
	[dreg:$0xa] =	wrdreg s30  }
0xf: {  	v0 =	vand.u32 $0x7, v2;
	v2 =	vor.u32 $0x8, v2;
	v1 =	vmul.u32 $0x8, v1;
	[dreg:$0xb] =	wrdreg s5;
	s5 =	simm.s32 $0x3;
	s25 =	simm.s32 $0x400  }
.LBB2_1:
0x10: {  	s14 =	rddreg [dreg:$0x3]  }
0x11: {  	[tilespmem:s2], [sflag:$0x3] =	stream.linear.gather [hbm4b:s14+s2], $0x400, $0x38;
	[tilespmem:$0x10400] =	vst v63  }
0x12: {  	_ =	swait.ge [sflag:s5], $0x400  }
0x13: {  	[sflag:s5] =	ssyncset.done $0x0  }
0x14: {  	[sflag:s5] =	ssyncadd.s32 $0xFFFFFC00  }
0x15: {  	v3 =	vld [tilespmem:$0x0];
	_ =	sdelay $0x4  }
0x16: {  	v4 =	vshll.u32 v3, $0x1  }
0x17: {  	v3 =	vand.u32 $0x7, v3;
	v4 =	vand.u32 $0xFFFFFFF0, v4  }
0x18: {  	v3 =	vor.u32 v3, v4  }
0x19: {  	v4 =	vperm.xlane v3, v0;
	_ =	sdelay $0x1  }
0x1a: {  	v3 =	vperm.xlane v3, v2;
	v4 =	vadd.s32 v1, v4;
	_ =	sdelay $0x1  }
0x1b: {  	v3 =	vadd.s32 v1, v3;
	_ =	sdelay $0x2  }
0x1c: {  	[tilespmem:s25], [sflag:$0x1] =	stream.indirect_vreg.gather [hbm4b:s3+s2], $0x80, v4, vm0, $0xb8;
	[tilespmem:$0x10400] =	vst v63  }
0x1d: {  	s0 =	simm.s32 $0xC00  }
0x1e: {  	[tilespmem:s0], [sflag:$0x1] =	stream.indirect_vreg.gather [hbm4b:s3+s2], $0x80, v3, vm0, $0xb8;
	[tilespmem:$0x10400] =	vst v63  }
0x1f: {  	v3 =	vld [tilespmem:$0x10];
	_ =	sdelay $0x4  }
0x20: {  	v57 =	vshll.u32 v3, $0x1  }
0x21: {  	v3 =	vand.u32 $0x7, v3;
	v4 =	vand.u32 $0xFFFFFFF0, v57  }
0x22: {  	v3 =	vor.u32 v3, v4  }
0x23: {  	v4 =	vperm.xlane v3, v0;
	_ =	sdelay $0x1  }
0x24: {  	v3 =	vperm.xlane v3, v2;
	v4 =	vadd.s32 v1, v4;
	_ =	sdelay $0x1  }
0x25: {  	v3 =	vadd.s32 v1, v3;
	_ =	sdelay $0x1  }
0x26: {  	s28 =	simm.s32 $0x1400  }
0x27: {  	[tilespmem:s28], [sflag:$0x1] =	stream.indirect_vreg.gather [hbm4b:s3+s2], $0x80, v4, vm0, $0xb8;
	[tilespmem:$0x10400] =	vst v63  }
0x28: {  	s29 =	simm.s32 $0x1C00  }
0x29: {  	[tilespmem:s29], [sflag:$0x1] =	stream.indirect_vreg.gather [hbm4b:s3+s2], $0x80, v3, vm0, $0xb8;
	[tilespmem:$0x10400] =	vst v63  }
0x2a: {  	v3 =	vld [tilespmem:$0x20];
	_ =	sdelay $0x4  }
0x2b: {  	v58 =	vshll.u32 v3, $0x1  }
0x2c: {  	v3 =	vand.u32 $0x7, v3;
	v4 =	vand.u32 $0xFFFFFFF0, v58  }
0x2d: {  	v3 =	vor.u32 v3, v4  }
0x2e: {  	v4 =	vperm.xlane v3, v0;
	_ =	sdelay $0x1  }
0x2f: {  	v3 =	vperm.xlane v3, v2;
	v4 =	vadd.s32 v1, v4;
	_ =	sdelay $0x1  }
0x30: {  	v3 =	vadd.s32 v1, v3;
	_ =	sdelay $0x1  }
0x31: {  	s30 =	simm.s32 $0x2400  }
0x32: {  	[tilespmem:s30], [sflag:$0x1] =	stream.indirect_vreg.gather [hbm4b:s3+s2], $0x80, v4, vm0, $0xb8;
	[tilespmem:$0x10400] =	vst v63  }
0x33: {  	s31 =	simm.s32 $0x2C00  }
0x34: {  	[tilespmem:s31], [sflag:$0x1] =	stream.indirect_vreg.gather [hbm4b:s3+s2], $0x80, v3, vm0, $0xb8;
	[tilespmem:$0x10400] =	vst v63  }
0x35: {  	v3 =	vld [tilespmem:$0x30];
	_ =	sdelay $0x4  }
0x36: {  	v59 =	vshll.u32 v3, $0x1  }
0x37: {  	v3 =	vand.u32 $0x7, v3;
	v4 =	vand.u32 $0xFFFFFFF0, v59  }
0x38: {  	v3 =	vor.u32 v3, v4  }
0x39: {  	v4 =	vperm.xlane v3, v0;
	_ =	sdelay $0x1  }
0x3a: {  	v3 =	vperm.xlane v3, v2;
	v4 =	vadd.s32 v1, v4;
	_ =	sdelay $0x1  }
0x3b: {  	v3 =	vadd.s32 v1, v3;
	_ =	sdelay $0x1  }
0x3c: {  	s1 =	simm.s32 $0x3400  }
0x3d: {  	[tilespmem:s1], [sflag:$0x1] =	stream.indirect_vreg.gather [hbm4b:s3+s2], $0x80, v4, vm0, $0xb8;
	[tilespmem:$0x10400] =	vst v63  }
0x3e: {  	s10 =	simm.s32 $0x3C00  }
0x3f: {  	[tilespmem:s10], [sflag:$0x1] =	stream.indirect_vreg.gather [hbm4b:s3+s2], $0x80, v3, vm0, $0xb8;
	[tilespmem:$0x10400] =	vst v63  }
0x40: {  	v3 =	vld [tilespmem:$0x40];
	_ =	sdelay $0x4  }
0x41: {  	v60 =	vshll.u32 v3, $0x1  }
0x42: {  	v3 =	vand.u32 $0x7, v3;
	v4 =	vand.u32 $0xFFFFFFF0, v60  }
0x43: {  	v3 =	vor.u32 v3, v4  }
0x44: {  	v4 =	vperm.xlane v3, v0;
	_ =	sdelay $0x1  }
0x45: {  	v3 =	vperm.xlane v3, v2;
	v4 =	vadd.s32 v1, v4;
	_ =	sdelay $0x1  }
0x46: {  	v3 =	vadd.s32 v1, v3;
	_ =	sdelay $0x1  }
0x47: {  	s11 =	simm.s32 $0x4400  }
0x48: {  	[tilespmem:s11], [sflag:$0x1] =	stream.indirect_vreg.gather [hbm4b:s3+s2], $0x80, v4, vm0, $0xb8;
	[tilespmem:$0x10400] =	vst v63  }
0x49: {  	s14 =	simm.s32 $0x4C00  }
0x4a: {  	[tilespmem:s14], [sflag:$0x1] =	stream.indirect_vreg.gather [hbm4b:s3+s2], $0x80, v3, vm0, $0xb8;
	[tilespmem:$0x10400] =	vst v63  }
0x4b: {  	v3 =	vld [tilespmem:$0x50];
	_ =	sdelay $0x4  }
0x4c: {  	v61 =	vshll.u32 v3, $0x1  }
0x4d: {  	v3 =	vand.u32 $0x7, v3;
	v4 =	vand.u32 $0xFFFFFFF0, v61  }
0x4e: {  	v3 =	vor.u32 v3, v4  }
0x4f: {  	v4 =	vperm.xlane v3, v0;
	_ =	sdelay $0x1  }
0x50: {  	v3 =	vperm.xlane v3, v2;
	v4 =	vadd.s32 v1, v4;
	_ =	sdelay $0x1  }
0x51: {  	v3 =	vadd.s32 v1, v3;
	_ =	sdelay $0x1  }
0x52: {  	s15 =	simm.s32 $0x5400  }
0x53: {  	[tilespmem:s15], [sflag:$0x1] =	stream.indirect_vreg.gather [hbm4b:s3+s2], $0x80, v4, vm0, $0xb8;
	[tilespmem:$0x10400] =	vst v63  }
0x54: {  	s16 =	simm.s32 $0x5C00  }
0x55: {  	[tilespmem:s16], [sflag:$0x1] =	stream.indirect_vreg.gather [hbm4b:s3+s2], $0x80, v3, vm0, $0xb8;
	[tilespmem:$0x10400] =	vst v63  }
0x56: {  	v3 =	vld [tilespmem:$0x60];
	_ =	sdelay $0x4  }
0x57: {  	v62 =	vshll.u32 v3, $0x1  }
0x58: {  	v3 =	vand.u32 $0x7, v3;
	v4 =	vand.u32 $0xFFFFFFF0, v62  }
0x59: {  	v3 =	vor.u32 v3, v4  }
0x5a: {  	v4 =	vperm.xlane v3, v0;
	_ =	sdelay $0x1  }
0x5b: {  	v3 =	vperm.xlane v3, v2;
	v4 =	vadd.s32 v1, v4;
	_ =	sdelay $0x1  }
0x5c: {  	v3 =	vadd.s32 v1, v3;
	_ =	sdelay $0x1  }
0x5d: {  	s17 =	simm.s32 $0x6400  }
0x5e: {  	[tilespmem:s17], [sflag:$0x1] =	stream.indirect_vreg.gather [hbm4b:s3+s2], $0x80, v4, vm0, $0xb8;
	[tilespmem:$0x10400] =	vst v63  }
0x5f: {  	s18 =	simm.s32 $0x6C00  }
0x60: {  	[tilespmem:s18], [sflag:$0x1] =	stream.indirect_vreg.gather [hbm4b:s3+s2], $0x80, v3, vm0, $0xb8;
	[tilespmem:$0x10400] =	vst v63  }
0x61: {  	v3 =	vld [tilespmem:$0x70];
	_ =	sdelay $0x4  }
0x62: {  	v63 =	vshll.u32 v3, $0x1  }
0x63: {  	v3 =	vand.u32 $0x7, v3;
	v4 =	vand.u32 $0xFFFFFFF0, v63  }
0x64: {  	v3 =	vor.u32 v3, v4  }
0x65: {  	v4 =	vperm.xlane v3, v0;
	_ =	sdelay $0x1  }
0x66: {  	v3 =	vperm.xlane v3, v2;
	v4 =	vadd.s32 v1, v4;
	_ =	sdelay $0x1  }
0x67: {  	v3 =	vadd.s32 v1, v3;
	_ =	sdelay $0x1  }
0x68: {  	s19 =	simm.s32 $0x7400  }
0x69: {  	[tilespmem:s19], [sflag:$0x1] =	stream.indirect_vreg.gather [hbm4b:s3+s2], $0x80, v4, vm0, $0xb8;
	[tilespmem:$0x10400] =	vst v63  }
0x6a: {  	s20 =	simm.s32 $0x7C00  }
0x6b: {  	[tilespmem:s20], [sflag:$0x1] =	stream.indirect_vreg.gather [hbm4b:s3+s2], $0x80, v3, vm0, $0xb8;
	[tilespmem:$0x10400] =	vst v63  }
0x6c: {  	v3 =	vld [tilespmem:$0x80];
	_ =	sdelay $0x4  }
0x6d: {  	v8 =	vshll.u32 v3, $0x1  }
0x6e: {  	v3 =	vand.u32 $0x7, v3;
	v4 =	vand.u32 $0xFFFFFFF0, v8  }
0x6f: {  	v3 =	vor.u32 v3, v4  }
0x70: {  	v4 =	vperm.xlane v3, v0;
	_ =	sdelay $0x1  }
0x71: {  	v3 =	vperm.xlane v3, v2;
	v4 =	vadd.s32 v1, v4;
	_ =	sdelay $0x1  }
0x72: {  	v3 =	vadd.s32 v1, v3;
	_ =	sdelay $0x2  }
0x73: {  	[tilespmem:s22], [sflag:$0x2] =	stream.indirect_vreg.gather [hbm4b:s3+s2], $0x80, v4, vm0, $0xb8;
	[tilespmem:$0x10400] =	vst v63  }
0x74: {  	s21 =	simm.s32 $0x8C00  }
0x75: {  	[tilespmem:s21], [sflag:$0x2] =	stream.indirect_vreg.gather [hbm4b:s3+s2], $0x80, v3, vm0, $0xb8;
	[tilespmem:$0x10400] =	vst v63  }
0x76: {  	v3 =	vld [tilespmem:$0x90];
	_ =	sdelay $0x4  }
0x77: {  	v9 =	vshll.u32 v3, $0x1  }
0x78: {  	v3 =	vand.u32 $0x7, v3;
	v4 =	vand.u32 $0xFFFFFFF0, v9  }
0x79: {  	v3 =	vor.u32 v3, v4  }
0x7a: {  	v4 =	vperm.xlane v3, v0;
	_ =	sdelay $0x1  }
0x7b: {  	v3 =	vperm.xlane v3, v2;
	v4 =	vadd.s32 v1, v4;
	_ =	sdelay $0x1  }
0x7c: {  	v3 =	vadd.s32 v1, v3;
	_ =	sdelay $0x1  }
0x7d: {  	s23 =	simm.s32 $0x9400  }
0x7e: {  	[tilespmem:s23], [sflag:$0x2] =	stream.indirect_vreg.gather [hbm4b:s3+s2], $0x80, v4, vm0, $0xb8;
	[tilespmem:$0x10400] =	vst v63  }
0x7f: {  	s24 =	simm.s32 $0x9C00  }
0x80: {  	[tilespmem:s24], [sflag:$0x2] =	stream.indirect_vreg.gather [hbm4b:s3+s2], $0x80, v3, vm0, $0xb8;
	[tilespmem:$0x10400] =	vst v63  }
0x81: {  	v3 =	vld [tilespmem:$0xA0];
	_ =	sdelay $0x4  }
0x82: {  	v10 =	vshll.u32 v3, $0x1  }
0x83: {  	v3 =	vand.u32 $0x7, v3;
	v4 =	vand.u32 $0xFFFFFFF0, v10  }
0x84: {  	v3 =	vor.u32 v3, v4  }
0x85: {  	v4 =	vperm.xlane v3, v0;
	_ =	sdelay $0x1  }
0x86: {  	v3 =	vperm.xlane v3, v2;
	v4 =	vadd.s32 v1, v4;
	_ =	sdelay $0x1  }
0x87: {  	v3 =	vadd.s32 v1, v3;
	_ =	sdelay $0x1  }
0x88: {  	s26 =	simm.s32 $0xA400  }
0x89: {  	[tilespmem:s26], [sflag:$0x2] =	stream.indirect_vreg.gather [hbm4b:s3+s2], $0x80, v4, vm0, $0xb8;
	[tilespmem:$0x10400] =	vst v63  }
0x8a: {  	s28 =	simm.s32 $0xAC00  }
0x8b: {  	[tilespmem:s28], [sflag:$0x2] =	stream.indirect_vreg.gather [hbm4b:s3+s2], $0x80, v3, vm0, $0xb8;
	[tilespmem:$0x10400] =	vst v63  }
0x8c: {  	v3 =	vld [tilespmem:$0xB0];
	_ =	sdelay $0x4  }
0x8d: {  	v11 =	vshll.u32 v3, $0x1  }
0x8e: {  	v3 =	vand.u32 $0x7, v3;
	v4 =	vand.u32 $0xFFFFFFF0, v11  }
0x8f: {  	v3 =	vor.u32 v3, v4  }
0x90: {  	v4 =	vperm.xlane v3, v0;
	_ =	sdelay $0x1  }
0x91: {  	v3 =	vperm.xlane v3, v2;
	v4 =	vadd.s32 v1, v4;
	_ =	sdelay $0x1  }
0x92: {  	v3 =	vadd.s32 v1, v3;
	_ =	sdelay $0x1  }
0x93: {  	s29 =	simm.s32 $0xB400  }
0x94: {  	[tilespmem:s29], [sflag:$0x2] =	stream.indirect_vreg.gather [hbm4b:s3+s2], $0x80, v4, vm0, $0xb8;
	[tilespmem:$0x10400] =	vst v63  }
0x95: {  	s30 =	simm.s32 $0xBC00  }
0x96: {  	[tilespmem:s30], [sflag:$0x2] =	stream.indirect_vreg.gather [hbm4b:s3+s2], $0x80, v3, vm0, $0xb8;
	[tilespmem:$0x10400] =	vst v63  }
0x97: {  	v3 =	vld [tilespmem:$0xC0];
	_ =	sdelay $0x4  }
0x98: {  	v12 =	vshll.u32 v3, $0x1  }
0x99: {  	v3 =	vand.u32 $0x7, v3;
	v4 =	vand.u32 $0xFFFFFFF0, v12  }
0x9a: {  	v3 =	vor.u32 v3, v4  }
0x9b: {  	v4 =	vperm.xlane v3, v0;
	_ =	sdelay $0x1  }
0x9c: {  	v3 =	vperm.xlane v3, v2;
	v4 =	vadd.s32 v1, v4;
	_ =	sdelay $0x1  }
0x9d: {  	v3 =	vadd.s32 v1, v3;
	_ =	sdelay $0x1  }
0x9e: {  	s31 =	simm.s32 $0xC400  }
0x9f: {  	[tilespmem:s31], [sflag:$0x2] =	stream.indirect_vreg.gather [hbm4b:s3+s2], $0x80, v4, vm0, $0xb8;
	[tilespmem:$0x10400] =	vst v63  }
0xa0: {  	s0 =	simm.s32 $0xCC00  }
0xa1: {  	[tilespmem:s0], [sflag:$0x2] =	stream.indirect_vreg.gather [hbm4b:s3+s2], $0x80, v3, vm0, $0xb8;
	[tilespmem:$0x10400] =	vst v63  }
0xa2: {  	v3 =	vld [tilespmem:$0xD0];
	_ =	sdelay $0x4  }
0xa3: {  	v13 =	vshll.u32 v3, $0x1  }
0xa4: {  	v3 =	vand.u32 $0x7, v3;
	v4 =	vand.u32 $0xFFFFFFF0, v13  }
0xa5: {  	v3 =	vor.u32 v3, v4  }
0xa6: {  	v4 =	vperm.xlane v3, v0;
	_ =	sdelay $0x1  }
0xa7: {  	v3 =	vperm.xlane v3, v2;
	v4 =	vadd.s32 v1, v4;
	_ =	sdelay $0x1  }
0xa8: {  	v3 =	vadd.s32 v1, v3;
	_ =	sdelay $0x1  }
0xa9: {  	s11 =	simm.s32 $0xD400  }
0xaa: {  	[tilespmem:s11], [sflag:$0x2] =	stream.indirect_vreg.gather [hbm4b:s3+s2], $0x80, v4, vm0, $0xb8;
	[tilespmem:$0x10400] =	vst v63  }
0xab: {  	s16 =	simm.s32 $0xDC00  }
0xac: {  	[tilespmem:s16], [sflag:$0x2] =	stream.indirect_vreg.gather [hbm4b:s3+s2], $0x80, v3, vm0, $0xb8;
	[tilespmem:$0x10400] =	vst v63  }
0xad: {  	v3 =	vld [tilespmem:$0xE0];
	_ =	sdelay $0x4  }
0xae: {  	v14 =	vshll.u32 v3, $0x1  }
0xaf: {  	v3 =	vand.u32 $0x7, v3;
	v4 =	vand.u32 $0xFFFFFFF0, v14  }
0xb0: {  	v3 =	vor.u32 v3, v4  }
0xb1: {  	v4 =	vperm.xlane v3, v0;
	_ =	sdelay $0x1  }
0xb2: {  	v3 =	vperm.xlane v3, v2;
	v4 =	vadd.s32 v1, v4;
	_ =	sdelay $0x1  }
0xb3: {  	v3 =	vadd.s32 v1, v3;
	_ =	sdelay $0x1  }
0xb4: {  	s17 =	simm.s32 $0xE400  }
0xb5: {  	[tilespmem:s17], [sflag:$0x2] =	stream.indirect_vreg.gather [hbm4b:s3+s2], $0x80, v4, vm0, $0xb8;
	[tilespmem:$0x10400] =	vst v63  }
0xb6: {  	s18 =	simm.s32 $0xEC00  }
0xb7: {  	[tilespmem:s18], [sflag:$0x2] =	stream.indirect_vreg.gather [hbm4b:s3+s2], $0x80, v3, vm0, $0xb8;
	[tilespmem:$0x10400] =	vst v63  }
0xb8: {  	v3 =	vld [tilespmem:$0xF0];
	_ =	sdelay $0x4  }
0xb9: {  	v15 =	vshll.u32 v3, $0x1  }
0xba: {  	v3 =	vand.u32 $0x7, v3;
	v4 =	vand.u32 $0xFFFFFFF0, v15  }
0xbb: {  	v3 =	vor.u32 v3, v4  }
0xbc: {  	v4 =	vperm.xlane v3, v0;
	_ =	sdelay $0x1  }
0xbd: {  	v3 =	vperm.xlane v3, v2;
	v4 =	vadd.s32 v1, v4;
	_ =	sdelay $0x1  }
0xbe: {  	v3 =	vadd.s32 v1, v3;
	_ =	sdelay $0x1  }
0xbf: {  	s19 =	simm.s32 $0xF400  }
0xc0: {  	[tilespmem:s19], [sflag:$0x2] =	stream.indirect_vreg.gather [hbm4b:s3+s2], $0x80, v4, vm0, $0xb8;
	[tilespmem:$0x10400] =	vst v63  }
0xc1: {  	s26 =	simm.s32 $0xFC00  }
0xc2: {  	[tilespmem:s26], [sflag:$0x2] =	stream.indirect_vreg.gather [hbm4b:s3+s2], $0x80, v3, vm0, $0xb8;
	[tilespmem:$0x10400] =	vst v63  }
0xc3: {  	_ =	swait.ge [sflag:s12], $0x8000  }
0xc4: {  	[sflag:s12] =	ssyncset.done $0x0  }
0xc5: {  	s0 =	rddreg [dreg:$0x4];
	[sflag:s12] =	ssyncadd.s32 $0xFFFF8000  }
0xc6: {  	[hbm4b:s0+s2] =	stream.linear.scatter [tilespmem:s25], [sflag:$0x3], $0x8000, $0x38;
	[tilespmem:$0x10400] =	vst v63  }
0xc7: {  	_ =	swait.ge [sflag:s5], $0x8000  }
0xc8: {  	[sflag:s5] =	ssyncset.done $0x0  }
0xc9: {  	[sflag:s5] =	ssyncadd.s32 $0xFFFF8000  }
0xca: {  	v3 =	vld [tilespmem:$0x100];
	_ =	sdelay $0x4  }
0xcb: {  	v16 =	vshll.u32 v3, $0x1  }
0xcc: {  	v3 =	vand.u32 $0x7, v3;
	v4 =	vand.u32 $0xFFFFFFF0, v16  }
0xcd: {  	v3 =	vor.u32 v3, v4  }
0xce: {  	v4 =	vperm.xlane v3, v0;
	_ =	sdelay $0x1  }
0xcf: {  	v3 =	vperm.xlane v3, v2;
	v4 =	vadd.s32 v1, v4;
	_ =	sdelay $0x1  }
0xd0: {  	v3 =	vadd.s32 v1, v3;
	_ =	sdelay $0x2  }
0xd1: {  	[tilespmem:s25], [sflag:$0x1] =	stream.indirect_vreg.gather [hbm4b:s3+s2], $0x80, v4, vm0, $0xb8;
	[tilespmem:$0x10400] =	vst v63  }
0xd2: {  	s8 =	simm.s32 $0xC00  }
0xd3: {  	[tilespmem:s8], [sflag:$0x1] =	stream.indirect_vreg.gather [hbm4b:s3+s2], $0x80, v3, vm0, $0xb8;
	[tilespmem:$0x10400] =	vst v63  }
0xd4: {  	v3 =	vld [tilespmem:$0x110];
	_ =	sdelay $0x4  }
0xd5: {  	v17 =	vshll.u32 v3, $0x1  }
0xd6: {  	v3 =	vand.u32 $0x7, v3;
	v4 =	vand.u32 $0xFFFFFFF0, v17  }
0xd7: {  	v3 =	vor.u32 v3, v4  }
0xd8: {  	v4 =	vperm.xlane v3, v0;
	_ =	sdelay $0x1  }
0xd9: {  	v3 =	vperm.xlane v3, v2;
	v4 =	vadd.s32 v1, v4;
	_ =	sdelay $0x1  }
0xda: {  	v3 =	vadd.s32 v1, v3;
	_ =	sdelay $0x1  }
0xdb: {  	s6 =	simm.s32 $0x1400  }
0xdc: {  	[tilespmem:s6], [sflag:$0x1] =	stream.indirect_vreg.gather [hbm4b:s3+s2], $0x80, v4, vm0, $0xb8;
	[tilespmem:$0x10400] =	vst v63  }
0xdd: {  	s9 =	simm.s32 $0x1C00  }
0xde: {  	[tilespmem:s9], [sflag:$0x1] =	stream.indirect_vreg.gather [hbm4b:s3+s2], $0x80, v3, vm0, $0xb8;
	[tilespmem:$0x10400] =	vst v63  }
0xdf: {  	v3 =	vld [tilespmem:$0x120];
	_ =	sdelay $0x4  }
0xe0: {  	v18 =	vshll.u32 v3, $0x1  }
0xe1: {  	v3 =	vand.u32 $0x7, v3;
	v4 =	vand.u32 $0xFFFFFFF0, v18  }
0xe2: {  	v3 =	vor.u32 v3, v4  }
0xe3: {  	v4 =	vperm.xlane v3, v0;
	_ =	sdelay $0x1  }
0xe4: {  	v3 =	vperm.xlane v3, v2;
	v4 =	vadd.s32 v1, v4;
	_ =	sdelay $0x1  }
0xe5: {  	v3 =	vadd.s32 v1, v3;
	_ =	sdelay $0x1  }
0xe6: {  	s7 =	simm.s32 $0x2400  }
0xe7: {  	[tilespmem:s7], [sflag:$0x1] =	stream.indirect_vreg.gather [hbm4b:s3+s2], $0x80, v4, vm0, $0xb8;
	[tilespmem:$0x10400] =	vst v63  }
0xe8: {  	s19 =	simm.s32 $0x2C00  }
0xe9: {  	[tilespmem:s19], [sflag:$0x1] =	stream.indirect_vreg.gather [hbm4b:s3+s2], $0x80, v3, vm0, $0xb8;
	[tilespmem:$0x10400] =	vst v63  }
0xea: {  	v3 =	vld [tilespmem:$0x130];
	_ =	sdelay $0x4  }
0xeb: {  	v19 =	vshll.u32 v3, $0x1  }
0xec: {  	v3 =	vand.u32 $0x7, v3;
	v4 =	vand.u32 $0xFFFFFFF0, v19  }
0xed: {  	v3 =	vor.u32 v3, v4  }
0xee: {  	v4 =	vperm.xlane v3, v0;
	_ =	sdelay $0x1  }
0xef: {  	v3 =	vperm.xlane v3, v2;
	v4 =	vadd.s32 v1, v4;
	_ =	sdelay $0x1  }
0xf0: {  	v3 =	vadd.s32 v1, v3;
	_ =	sdelay $0x1  }
0xf1: {  	s8 =	simm.s32 $0x3400  }
0xf2: {  	[tilespmem:s8], [sflag:$0x1] =	stream.indirect_vreg.gather [hbm4b:s3+s2], $0x80, v4, vm0, $0xb8;
	[tilespmem:$0x10400] =	vst v63  }
0xf3: {  	s10 =	simm.s32 $0x3C00  }
0xf4: {  	[tilespmem:s10], [sflag:$0x1] =	stream.indirect_vreg.gather [hbm4b:s3+s2], $0x80, v3, vm0, $0xb8;
	[tilespmem:$0x10400] =	vst v63  }
0xf5: {  	v3 =	vld [tilespmem:$0x140];
	_ =	sdelay $0x4  }
0xf6: {  	v20 =	vshll.u32 v3, $0x1  }
0xf7: {  	v3 =	vand.u32 $0x7, v3;
	v4 =	vand.u32 $0xFFFFFFF0, v20  }
0xf8: {  	v3 =	vor.u32 v3, v4  }
0xf9: {  	v4 =	vperm.xlane v3, v0;
	_ =	sdelay $0x1  }
0xfa: {  	v3 =	vperm.xlane v3, v2;
	v4 =	vadd.s32 v1, v4;
	_ =	sdelay $0x1  }
0xfb: {  	v3 =	vadd.s32 v1, v3;
	_ =	sdelay $0x1  }
0xfc: {  	s9 =	simm.s32 $0x4400  }
0xfd: {  	[tilespmem:s9], [sflag:$0x1] =	stream.indirect_vreg.gather [hbm4b:s3+s2], $0x80, v4, vm0, $0xb8;
	[tilespmem:$0x10400] =	vst v63  }
0xfe: {  	s11 =	simm.s32 $0x4C00  }
0xff: {  	[tilespmem:s11], [sflag:$0x1] =	stream.indirect_vreg.gather [hbm4b:s3+s2], $0x80, v3, vm0, $0xb8;
	[tilespmem:$0x10400] =	vst v63  }
0x100: {  	v3 =	vld [tilespmem:$0x150];
	_ =	sdelay $0x4  }
0x101: {  	v21 =	vshll.u32 v3, $0x1  }
0x102: {  	v3 =	vand.u32 $0x7, v3;
	v4 =	vand.u32 $0xFFFFFFF0, v21  }
0x103: {  	v3 =	vor.u32 v3, v4  }
0x104: {  	v4 =	vperm.xlane v3, v0;
	_ =	sdelay $0x1  }
0x105: {  	v3 =	vperm.xlane v3, v2;
	v4 =	vadd.s32 v1, v4;
	_ =	sdelay $0x1  }
0x106: {  	v3 =	vadd.s32 v1, v3;
	_ =	sdelay $0x1  }
0x107: {  	s10 =	simm.s32 $0x5400  }
0x108: {  	[tilespmem:s10], [sflag:$0x1] =	stream.indirect_vreg.gather [hbm4b:s3+s2], $0x80, v4, vm0, $0xb8;
	[tilespmem:$0x10400] =	vst v63  }
0x109: {  	s15 =	simm.s32 $0x5C00  }
0x10a: {  	[tilespmem:s15], [sflag:$0x1] =	stream.indirect_vreg.gather [hbm4b:s3+s2], $0x80, v3, vm0, $0xb8;
	[tilespmem:$0x10400] =	vst v63  }
0x10b: {  	v3 =	vld [tilespmem:$0x160];
	_ =	sdelay $0x4  }
0x10c: {  	v22 =	vshll.u32 v3, $0x1  }
0x10d: {  	v3 =	vand.u32 $0x7, v3;
	v4 =	vand.u32 $0xFFFFFFF0, v22  }
0x10e: {  	v3 =	vor.u32 v3, v4  }
0x10f: {  	v4 =	vperm.xlane v3, v0;
	_ =	sdelay $0x1  }
0x110: {  	v3 =	vperm.xlane v3, v2;
	v4 =	vadd.s32 v1, v4;
	_ =	sdelay $0x1  }
0x111: {  	v3 =	vadd.s32 v1, v3;
	_ =	sdelay $0x1  }
0x112: {  	s15 =	simm.s32 $0x6400  }
0x113: {  	[tilespmem:s15], [sflag:$0x1] =	stream.indirect_vreg.gather [hbm4b:s3+s2], $0x80, v4, vm0, $0xb8;
	[tilespmem:$0x10400] =	vst v63  }
0x114: {  	s16 =	simm.s32 $0x6C00  }
0x115: {  	[tilespmem:s16], [sflag:$0x1] =	stream.indirect_vreg.gather [hbm4b:s3+s2], $0x80, v3, vm0, $0xb8;
	[tilespmem:$0x10400] =	vst v63  }
0x116: {  	v3 =	vld [tilespmem:$0x170];
	_ =	sdelay $0x4  }
0x117: {  	v23 =	vshll.u32 v3, $0x1  }
0x118: {  	v3 =	vand.u32 $0x7, v3;
	v4 =	vand.u32 $0xFFFFFFF0, v23  }
0x119: {  	v3 =	vor.u32 v3, v4  }
0x11a: {  	v4 =	vperm.xlane v3, v0;
	_ =	sdelay $0x1  }
0x11b: {  	v3 =	vperm.xlane v3, v2;
	v4 =	vadd.s32 v1, v4;
	_ =	sdelay $0x1  }
0x11c: {  	v3 =	vadd.s32 v1, v3;
	_ =	sdelay $0x1  }
0x11d: {  	s17 =	simm.s32 $0x7400  }
0x11e: {  	[tilespmem:s17], [sflag:$0x1] =	stream.indirect_vreg.gather [hbm4b:s3+s2], $0x80, v4, vm0, $0xb8;
	[tilespmem:$0x10400] =	vst v63  }
0x11f: {  	s18 =	simm.s32 $0x7C00  }
0x120: {  	[tilespmem:s18], [sflag:$0x1] =	stream.indirect_vreg.gather [hbm4b:s3+s2], $0x80, v3, vm0, $0xb8;
	[tilespmem:$0x10400] =	vst v63  }
0x121: {  	_ =	swait.ge [sflag:s13], $0x8000  }
0x122: {  	[sflag:s13] =	ssyncset.done $0x0  }
0x123: {  	s7 =	rddreg [dreg:$0x5];
	[sflag:s13] =	ssyncadd.s32 $0xFFFF8000  }
0x124: {  	[hbm4b:s7+s2] =	stream.linear.scatter [tilespmem:s22], [sflag:$0x3], $0x8000, $0x38;
	[tilespmem:$0x10400] =	vst v63  }
0x125: {  	_ =	swait.ge [sflag:s5], $0x8000  }
0x126: {  	[sflag:s5] =	ssyncset.done $0x0  }
0x127: {  	[sflag:s5] =	ssyncadd.s32 $0xFFFF8000  }
0x128: {  	v3 =	vld [tilespmem:$0x180];
	_ =	sdelay $0x4  }
0x129: {  	v24 =	vshll.u32 v3, $0x1  }
0x12a: {  	v3 =	vand.u32 $0x7, v3;
	v4 =	vand.u32 $0xFFFFFFF0, v24  }
0x12b: {  	v3 =	vor.u32 v3, v4  }
0x12c: {  	v4 =	vperm.xlane v3, v0;
	_ =	sdelay $0x1  }
0x12d: {  	v3 =	vperm.xlane v3, v2;
	v4 =	vadd.s32 v1, v4;
	_ =	sdelay $0x1  }
0x12e: {  	v3 =	vadd.s32 v1, v3;
	_ =	sdelay $0x2  }
0x12f: {  	[tilespmem:s22], [sflag:$0x2] =	stream.indirect_vreg.gather [hbm4b:s3+s2], $0x80, v4, vm0, $0xb8;
	[tilespmem:$0x10400] =	vst v63  }
0x130: {  	s1 =	simm.s32 $0x8C00  }
0x131: {  	[tilespmem:s1], [sflag:$0x2] =	stream.indirect_vreg.gather [hbm4b:s3+s2], $0x80, v3, vm0, $0xb8;
	[tilespmem:$0x10400] =	vst v63  }
0x132: {  	v3 =	vld [tilespmem:$0x190];
	_ =	sdelay $0x4  }
0x133: {  	v25 =	vshll.u32 v3, $0x1  }
0x134: {  	v3 =	vand.u32 $0x7, v3;
	v4 =	vand.u32 $0xFFFFFFF0, v25  }
0x135: {  	v3 =	vor.u32 v3, v4  }
0x136: {  	v4 =	vperm.xlane v3, v0;
	_ =	sdelay $0x1  }
0x137: {  	v3 =	vperm.xlane v3, v2;
	v4 =	vadd.s32 v1, v4;
	_ =	sdelay $0x1  }
0x138: {  	v3 =	vadd.s32 v1, v3;
	_ =	sdelay $0x1  }
0x139: {  	s0 =	simm.s32 $0x9400  }
0x13a: {  	[tilespmem:s0], [sflag:$0x2] =	stream.indirect_vreg.gather [hbm4b:s3+s2], $0x80, v4, vm0, $0xb8;
	[tilespmem:$0x10400] =	vst v63  }
0x13b: {  	s6 =	simm.s32 $0x9C00  }
0x13c: {  	[tilespmem:s6], [sflag:$0x2] =	stream.indirect_vreg.gather [hbm4b:s3+s2], $0x80, v3, vm0, $0xb8;
	[tilespmem:$0x10400] =	vst v63  }
0x13d: {  	v3 =	vld [tilespmem:$0x1A0];
	_ =	sdelay $0x4  }
0x13e: {  	v26 =	vshll.u32 v3, $0x1  }
0x13f: {  	v3 =	vand.u32 $0x7, v3;
	v4 =	vand.u32 $0xFFFFFFF0, v26  }
0x140: {  	v3 =	vor.u32 v3, v4  }
0x141: {  	v4 =	vperm.xlane v3, v0;
	_ =	sdelay $0x1  }
0x142: {  	v3 =	vperm.xlane v3, v2;
	v4 =	vadd.s32 v1, v4;
	_ =	sdelay $0x1  }
0x143: {  	v3 =	vadd.s32 v1, v3;
	_ =	sdelay $0x1  }
0x144: {  	s1 =	simm.s32 $0xA400  }
0x145: {  	[tilespmem:s1], [sflag:$0x2] =	stream.indirect_vreg.gather [hbm4b:s3+s2], $0x80, v4, vm0, $0xb8;
	[tilespmem:$0x10400] =	vst v63  }
0x146: {  	s7 =	simm.s32 $0xAC00  }
0x147: {  	[tilespmem:s7], [sflag:$0x2] =	stream.indirect_vreg.gather [hbm4b:s3+s2], $0x80, v3, vm0, $0xb8;
	[tilespmem:$0x10400] =	vst v63  }
0x148: {  	v3 =	vld [tilespmem:$0x1B0];
	_ =	sdelay $0x4  }
0x149: {  	v27 =	vshll.u32 v3, $0x1  }
0x14a: {  	v3 =	vand.u32 $0x7, v3;
	v4 =	vand.u32 $0xFFFFFFF0, v27  }
0x14b: {  	v3 =	vor.u32 v3, v4  }
0x14c: {  	v4 =	vperm.xlane v3, v0;
	_ =	sdelay $0x1  }
0x14d: {  	v3 =	vperm.xlane v3, v2;
	v4 =	vadd.s32 v1, v4;
	_ =	sdelay $0x1  }
0x14e: {  	v3 =	vadd.s32 v1, v3;
	_ =	sdelay $0x1  }
0x14f: {  	s28 =	simm.s32 $0xB400  }
0x150: {  	[tilespmem:s28], [sflag:$0x2] =	stream.indirect_vreg.gather [hbm4b:s3+s2], $0x80, v4, vm0, $0xb8;
	[tilespmem:$0x10400] =	vst v63  }
0x151: {  	s21 =	simm.s32 $0xBC00  }
0x152: {  	[tilespmem:s21], [sflag:$0x2] =	stream.indirect_vreg.gather [hbm4b:s3+s2], $0x80, v3, vm0, $0xb8;
	[tilespmem:$0x10400] =	vst v63  }
0x153: {  	v3 =	vld [tilespmem:$0x1C0];
	_ =	sdelay $0x4  }
0x154: {  	v28 =	vshll.u32 v3, $0x1  }
0x155: {  	v3 =	vand.u32 $0x7, v3;
	v4 =	vand.u32 $0xFFFFFFF0, v28  }
0x156: {  	v3 =	vor.u32 v3, v4  }
0x157: {  	v4 =	vperm.xlane v3, v0;
	_ =	sdelay $0x1  }
0x158: {  	v3 =	vperm.xlane v3, v2;
	v4 =	vadd.s32 v1, v4;
	_ =	sdelay $0x1  }
0x159: {  	v3 =	vadd.s32 v1, v3;
	_ =	sdelay $0x1  }
0x15a: {  	s31 =	simm.s32 $0xC400  }
0x15b: {  	[tilespmem:s31], [sflag:$0x2] =	stream.indirect_vreg.gather [hbm4b:s3+s2], $0x80, v4, vm0, $0xb8;
	[tilespmem:$0x10400] =	vst v63  }
0x15c: {  	s20 =	simm.s32 $0xCC00  }
0x15d: {  	[tilespmem:s20], [sflag:$0x2] =	stream.indirect_vreg.gather [hbm4b:s3+s2], $0x80, v3, vm0, $0xb8;
	[tilespmem:$0x10400] =	vst v63  }
0x15e: {  	v3 =	vld [tilespmem:$0x1D0];
	_ =	sdelay $0x4  }
0x15f: {  	v29 =	vshll.u32 v3, $0x1  }
0x160: {  	v3 =	vand.u32 $0x7, v3;
	v4 =	vand.u32 $0xFFFFFFF0, v29  }
0x161: {  	v3 =	vor.u32 v3, v4  }
0x162: {  	v4 =	vperm.xlane v3, v0;
	_ =	sdelay $0x1  }
0x163: {  	v3 =	vperm.xlane v3, v2;
	v4 =	vadd.s32 v1, v4;
	_ =	sdelay $0x1  }
0x164: {  	v3 =	vadd.s32 v1, v3;
	_ =	sdelay $0x1  }
0x165: {  	s29 =	simm.s32 $0xD400  }
0x166: {  	[tilespmem:s29], [sflag:$0x2] =	stream.indirect_vreg.gather [hbm4b:s3+s2], $0x80, v4, vm0, $0xb8;
	[tilespmem:$0x10400] =	vst v63  }
0x167: {  	s23 =	simm.s32 $0xDC00  }
0x168: {  	[tilespmem:s23], [sflag:$0x2] =	stream.indirect_vreg.gather [hbm4b:s3+s2], $0x80, v3, vm0, $0xb8;
	[tilespmem:$0x10400] =	vst v63  }
0x169: {  	v3 =	vld [tilespmem:$0x1E0];
	_ =	sdelay $0x4  }
0x16a: {  	v30 =	vshll.u32 v3, $0x1  }
0x16b: {  	v3 =	vand.u32 $0x7, v3;
	v4 =	vand.u32 $0xFFFFFFF0, v30  }
0x16c: {  	v3 =	vor.u32 v3, v4  }
0x16d: {  	v4 =	vperm.xlane v3, v0;
	_ =	sdelay $0x1  }
0x16e: {  	v3 =	vperm.xlane v3, v2;
	v4 =	vadd.s32 v1, v4;
	_ =	sdelay $0x1  }
0x16f: {  	v3 =	vadd.s32 v1, v3;
	_ =	sdelay $0x1  }
0x170: {  	s30 =	simm.s32 $0xE400  }
0x171: {  	[tilespmem:s30], [sflag:$0x2] =	stream.indirect_vreg.gather [hbm4b:s3+s2], $0x80, v4, vm0, $0xb8;
	[tilespmem:$0x10400] =	vst v63  }
0x172: {  	s24 =	simm.s32 $0xEC00  }
0x173: {  	[tilespmem:s24], [sflag:$0x2] =	stream.indirect_vreg.gather [hbm4b:s3+s2], $0x80, v3, vm0, $0xb8;
	[tilespmem:$0x10400] =	vst v63  }
0x174: {  	v3 =	vld [tilespmem:$0x1F0];
	_ =	sdelay $0x4  }
0x175: {  	v31 =	vshll.u32 v3, $0x1  }
0x176: {  	v3 =	vand.u32 $0x7, v3;
	v4 =	vand.u32 $0xFFFFFFF0, v31  }
0x177: {  	v3 =	vor.u32 v3, v4  }
0x178: {  	v4 =	vperm.xlane v3, v0;
	_ =	sdelay $0x1  }
0x179: {  	v3 =	vperm.xlane v3, v2;
	v4 =	vadd.s32 v1, v4;
	_ =	sdelay $0x1  }
0x17a: {  	v3 =	vadd.s32 v1, v3;
	_ =	sdelay $0x1  }
0x17b: {  	s24 =	simm.s32 $0xF400  }
0x17c: {  	[tilespmem:s24], [sflag:$0x2] =	stream.indirect_vreg.gather [hbm4b:s3+s2], $0x80, v4, vm0, $0xb8;
	[tilespmem:$0x10400] =	vst v63  }
0x17d: {  	s26 =	simm.s32 $0xFC00  }
0x17e: {  	[tilespmem:s26], [sflag:$0x2] =	stream.indirect_vreg.gather [hbm4b:s3+s2], $0x80, v3, vm0, $0xb8;
	[tilespmem:$0x10400] =	vst v63  }
0x17f: {  	_ =	swait.ge [sflag:s12], $0x8000  }
0x180: {  	[sflag:s12] =	ssyncset.done $0x0  }
0x181: {  	s26 =	rddreg [dreg:$0x6];
	[sflag:s12] =	ssyncadd.s32 $0xFFFF8000  }
0x182: {  	[hbm4b:s26+s2] =	stream.linear.scatter [tilespmem:s25], [sflag:$0x3], $0x8000, $0x38;
	[tilespmem:$0x10400] =	vst v63  }
0x183: {  	_ =	swait.ge [sflag:s5], $0x8000  }
0x184: {  	[sflag:s5] =	ssyncset.done $0x0  }
0x185: {  	[sflag:s5] =	ssyncadd.s32 $0xFFFF8000  }
0x186: {  	v3 =	vld [tilespmem:$0x200];
	_ =	sdelay $0x4  }
0x187: {  	v32 =	vshll.u32 v3, $0x1  }
0x188: {  	v3 =	vand.u32 $0x7, v3;
	v4 =	vand.u32 $0xFFFFFFF0, v32  }
0x189: {  	v3 =	vor.u32 v3, v4  }
0x18a: {  	v4 =	vperm.xlane v3, v0;
	_ =	sdelay $0x1  }
0x18b: {  	v3 =	vperm.xlane v3, v2;
	v4 =	vadd.s32 v1, v4;
	_ =	sdelay $0x1  }
0x18c: {  	v3 =	vadd.s32 v1, v3;
	_ =	sdelay $0x2  }
0x18d: {  	[tilespmem:s25], [sflag:$0x1] =	stream.indirect_vreg.gather [hbm4b:s3+s2], $0x80, v4, vm0, $0xb8;
	[tilespmem:$0x10400] =	vst v63  }
0x18e: {  	s24 =	simm.s32 $0xC00  }
0x18f: {  	[tilespmem:s24], [sflag:$0x1] =	stream.indirect_vreg.gather [hbm4b:s3+s2], $0x80, v3, vm0, $0xb8;
	[tilespmem:$0x10400] =	vst v63  }
0x190: {  	v3 =	vld [tilespmem:$0x210];
	_ =	sdelay $0x4  }
0x191: {  	v33 =	vshll.u32 v3, $0x1  }
0x192: {  	v3 =	vand.u32 $0x7, v3;
	v4 =	vand.u32 $0xFFFFFFF0, v33  }
0x193: {  	v3 =	vor.u32 v3, v4  }
0x194: {  	v4 =	vperm.xlane v3, v0;
	_ =	sdelay $0x1  }
0x195: {  	v3 =	vperm.xlane v3, v2;
	v4 =	vadd.s32 v1, v4;
	_ =	sdelay $0x1  }
0x196: {  	v3 =	vadd.s32 v1, v3;
	_ =	sdelay $0x1  }
0x197: {  	s26 =	simm.s32 $0x1400  }
0x198: {  	[tilespmem:s26], [sflag:$0x1] =	stream.indirect_vreg.gather [hbm4b:s3+s2], $0x80, v4, vm0, $0xb8;
	[tilespmem:$0x10400] =	vst v63  }
0x199: {  	s24 =	simm.s32 $0x1C00  }
0x19a: {  	[tilespmem:s24], [sflag:$0x1] =	stream.indirect_vreg.gather [hbm4b:s3+s2], $0x80, v3, vm0, $0xb8;
	[tilespmem:$0x10400] =	vst v63  }
0x19b: {  	v3 =	vld [tilespmem:$0x220];
	_ =	sdelay $0x4  }
0x19c: {  	v34 =	vshll.u32 v3, $0x1  }
0x19d: {  	v3 =	vand.u32 $0x7, v3;
	v4 =	vand.u32 $0xFFFFFFF0, v34  }
0x19e: {  	v3 =	vor.u32 v3, v4  }
0x19f: {  	v4 =	vperm.xlane v3, v0;
	_ =	sdelay $0x1  }
0x1a0: {  	v3 =	vperm.xlane v3, v2;
	v4 =	vadd.s32 v1, v4;
	_ =	sdelay $0x1  }
0x1a1: {  	v3 =	vadd.s32 v1, v3;
	_ =	sdelay $0x1  }
0x1a2: {  	s26 =	simm.s32 $0x2400  }
0x1a3: {  	[tilespmem:s26], [sflag:$0x1] =	stream.indirect_vreg.gather [hbm4b:s3+s2], $0x80, v4, vm0, $0xb8;
	[tilespmem:$0x10400] =	vst v63  }
0x1a4: {  	_ = 	snop  }
0x1a5: {  	[tilespmem:s19], [sflag:$0x1] =	stream.indirect_vreg.gather [hbm4b:s3+s2], $0x80, v3, vm0, $0xb8;
	[tilespmem:$0x10400] =	vst v63  }
0x1a6: {  	v3 =	vld [tilespmem:$0x230];
	_ =	sdelay $0x4  }
0x1a7: {  	v35 =	vshll.u32 v3, $0x1  }
0x1a8: {  	v3 =	vand.u32 $0x7, v3;
	v4 =	vand.u32 $0xFFFFFFF0, v35  }
0x1a9: {  	v3 =	vor.u32 v3, v4  }
0x1aa: {  	v4 =	vperm.xlane v3, v0;
	_ =	sdelay $0x1  }
0x1ab: {  	v3 =	vperm.xlane v3, v2;
	v4 =	vadd.s32 v1, v4;
	_ =	sdelay $0x1  }
0x1ac: {  	v3 =	vadd.s32 v1, v3;
	_ =	sdelay $0x2  }
0x1ad: {  	[tilespmem:s8], [sflag:$0x1] =	stream.indirect_vreg.gather [hbm4b:s3+s2], $0x80, v4, vm0, $0xb8;
	[tilespmem:$0x10400] =	vst v63  }
0x1ae: {  	s24 =	simm.s32 $0x3C00  }
0x1af: {  	[tilespmem:s24], [sflag:$0x1] =	stream.indirect_vreg.gather [hbm4b:s3+s2], $0x80, v3, vm0, $0xb8;
	[tilespmem:$0x10400] =	vst v63  }
0x1b0: {  	v3 =	vld [tilespmem:$0x240];
	_ =	sdelay $0x4  }
0x1b1: {  	v36 =	vshll.u32 v3, $0x1  }
0x1b2: {  	v3 =	vand.u32 $0x7, v3;
	v4 =	vand.u32 $0xFFFFFFF0, v36  }
0x1b3: {  	v3 =	vor.u32 v3, v4  }
0x1b4: {  	v4 =	vperm.xlane v3, v0;
	_ =	sdelay $0x1  }
0x1b5: {  	v3 =	vperm.xlane v3, v2;
	v4 =	vadd.s32 v1, v4;
	_ =	sdelay $0x1  }
0x1b6: {  	v3 =	vadd.s32 v1, v3;
	_ =	sdelay $0x2  }
0x1b7: {  	[tilespmem:s9], [sflag:$0x1] =	stream.indirect_vreg.gather [hbm4b:s3+s2], $0x80, v4, vm0, $0xb8;
	[tilespmem:$0x10400] =	vst v63  }
0x1b8: {  	_ = 	snop  }
0x1b9: {  	[tilespmem:s11], [sflag:$0x1] =	stream.indirect_vreg.gather [hbm4b:s3+s2], $0x80, v3, vm0, $0xb8;
	[tilespmem:$0x10400] =	vst v63  }
0x1ba: {  	v3 =	vld [tilespmem:$0x250];
	_ =	sdelay $0x4  }
0x1bb: {  	v37 =	vshll.u32 v3, $0x1  }
0x1bc: {  	v3 =	vand.u32 $0x7, v3;
	v4 =	vand.u32 $0xFFFFFFF0, v37  }
0x1bd: {  	v3 =	vor.u32 v3, v4  }
0x1be: {  	v4 =	vperm.xlane v3, v0;
	_ =	sdelay $0x1  }
0x1bf: {  	v3 =	vperm.xlane v3, v2;
	v4 =	vadd.s32 v1, v4;
	_ =	sdelay $0x1  }
0x1c0: {  	v3 =	vadd.s32 v1, v3;
	_ =	sdelay $0x2  }
0x1c1: {  	[tilespmem:s10], [sflag:$0x1] =	stream.indirect_vreg.gather [hbm4b:s3+s2], $0x80, v4, vm0, $0xb8;
	[tilespmem:$0x10400] =	vst v63  }
0x1c2: {  	s26 =	simm.s32 $0x5C00  }
0x1c3: {  	[tilespmem:s26], [sflag:$0x1] =	stream.indirect_vreg.gather [hbm4b:s3+s2], $0x80, v3, vm0, $0xb8;
	[tilespmem:$0x10400] =	vst v63  }
0x1c4: {  	v3 =	vld [tilespmem:$0x260];
	_ =	sdelay $0x4  }
0x1c5: {  	v38 =	vshll.u32 v3, $0x1  }
0x1c6: {  	v3 =	vand.u32 $0x7, v3;
	v4 =	vand.u32 $0xFFFFFFF0, v38  }
0x1c7: {  	v3 =	vor.u32 v3, v4  }
0x1c8: {  	v4 =	vperm.xlane v3, v0;
	_ =	sdelay $0x1  }
0x1c9: {  	v3 =	vperm.xlane v3, v2;
	v4 =	vadd.s32 v1, v4;
	_ =	sdelay $0x1  }
0x1ca: {  	v3 =	vadd.s32 v1, v3;
	_ =	sdelay $0x2  }
0x1cb: {  	[tilespmem:s15], [sflag:$0x1] =	stream.indirect_vreg.gather [hbm4b:s3+s2], $0x80, v4, vm0, $0xb8;
	[tilespmem:$0x10400] =	vst v63  }
0x1cc: {  	_ = 	snop  }
0x1cd: {  	[tilespmem:s16], [sflag:$0x1] =	stream.indirect_vreg.gather [hbm4b:s3+s2], $0x80, v3, vm0, $0xb8;
	[tilespmem:$0x10400] =	vst v63  }
0x1ce: {  	v3 =	vld [tilespmem:$0x270];
	_ =	sdelay $0x4  }
0x1cf: {  	v39 =	vshll.u32 v3, $0x1  }
0x1d0: {  	v3 =	vand.u32 $0x7, v3;
	v4 =	vand.u32 $0xFFFFFFF0, v39  }
0x1d1: {  	v3 =	vor.u32 v3, v4  }
0x1d2: {  	v4 =	vperm.xlane v3, v0;
	_ =	sdelay $0x1  }
0x1d3: {  	v3 =	vperm.xlane v3, v2;
	v4 =	vadd.s32 v1, v4;
	_ =	sdelay $0x1  }
0x1d4: {  	v3 =	vadd.s32 v1, v3;
	_ =	sdelay $0x2  }
0x1d5: {  	[tilespmem:s17], [sflag:$0x1] =	stream.indirect_vreg.gather [hbm4b:s3+s2], $0x80, v4, vm0, $0xb8;
	[tilespmem:$0x10400] =	vst v63  }
0x1d6: {  	_ = 	snop  }
0x1d7: {  	[tilespmem:s18], [sflag:$0x1] =	stream.indirect_vreg.gather [hbm4b:s3+s2], $0x80, v3, vm0, $0xb8;
	[tilespmem:$0x10400] =	vst v63  }
0x1d8: {  	_ =	swait.ge [sflag:s13], $0x8000  }
0x1d9: {  	[sflag:s13] =	ssyncset.done $0x0  }
0x1da: {  	s24 =	rddreg [dreg:$0x7];
	[sflag:s13] =	ssyncadd.s32 $0xFFFF8000  }
0x1db: {  	[hbm4b:s24+s2] =	stream.linear.scatter [tilespmem:s22], [sflag:$0x3], $0x8000, $0x38;
	[tilespmem:$0x10400] =	vst v63  }
0x1dc: {  	_ =	swait.ge [sflag:s5], $0x8000  }
0x1dd: {  	[sflag:s5] =	ssyncset.done $0x0  }
0x1de: {  	[sflag:s5] =	ssyncadd.s32 $0xFFFF8000  }
0x1df: {  	v3 =	vld [tilespmem:$0x280];
	_ =	sdelay $0x4  }
0x1e0: {  	v40 =	vshll.u32 v3, $0x1  }
0x1e1: {  	v3 =	vand.u32 $0x7, v3;
	v4 =	vand.u32 $0xFFFFFFF0, v40  }
0x1e2: {  	v3 =	vor.u32 v3, v4  }
0x1e3: {  	v4 =	vperm.xlane v3, v0;
	_ =	sdelay $0x1  }
0x1e4: {  	v3 =	vperm.xlane v3, v2;
	v4 =	vadd.s32 v1, v4;
	_ =	sdelay $0x1  }
0x1e5: {  	v3 =	vadd.s32 v1, v3;
	_ =	sdelay $0x2  }
0x1e6: {  	[tilespmem:s22], [sflag:$0x2] =	stream.indirect_vreg.gather [hbm4b:s3+s2], $0x80, v4, vm0, $0xb8;
	[tilespmem:$0x10400] =	vst v63  }
0x1e7: {  	s26 =	simm.s32 $0x8C00  }
0x1e8: {  	[tilespmem:s26], [sflag:$0x2] =	stream.indirect_vreg.gather [hbm4b:s3+s2], $0x80, v3, vm0, $0xb8;
	[tilespmem:$0x10400] =	vst v63  }
0x1e9: {  	v3 =	vld [tilespmem:$0x290];
	_ =	sdelay $0x4  }
0x1ea: {  	v41 =	vshll.u32 v3, $0x1  }
0x1eb: {  	v3 =	vand.u32 $0x7, v3;
	v4 =	vand.u32 $0xFFFFFFF0, v41  }
0x1ec: {  	v3 =	vor.u32 v3, v4  }
0x1ed: {  	v4 =	vperm.xlane v3, v0;
	_ =	sdelay $0x1  }
0x1ee: {  	v3 =	vperm.xlane v3, v2;
	v4 =	vadd.s32 v1, v4;
	_ =	sdelay $0x1  }
0x1ef: {  	v3 =	vadd.s32 v1, v3;
	_ =	sdelay $0x2  }
0x1f0: {  	[tilespmem:s0], [sflag:$0x2] =	stream.indirect_vreg.gather [hbm4b:s3+s2], $0x80, v4, vm0, $0xb8;
	[tilespmem:$0x10400] =	vst v63  }
0x1f1: {  	_ = 	snop  }
0x1f2: {  	[tilespmem:s6], [sflag:$0x2] =	stream.indirect_vreg.gather [hbm4b:s3+s2], $0x80, v3, vm0, $0xb8;
	[tilespmem:$0x10400] =	vst v63  }
0x1f3: {  	v3 =	vld [tilespmem:$0x2A0];
	_ =	sdelay $0x4  }
0x1f4: {  	v42 =	vshll.u32 v3, $0x1  }
0x1f5: {  	v3 =	vand.u32 $0x7, v3;
	v4 =	vand.u32 $0xFFFFFFF0, v42  }
0x1f6: {  	v3 =	vor.u32 v3, v4  }
0x1f7: {  	v4 =	vperm.xlane v3, v0;
	_ =	sdelay $0x1  }
0x1f8: {  	v3 =	vperm.xlane v3, v2;
	v4 =	vadd.s32 v1, v4;
	_ =	sdelay $0x1  }
0x1f9: {  	v3 =	vadd.s32 v1, v3;
	_ =	sdelay $0x2  }
0x1fa: {  	[tilespmem:s1], [sflag:$0x2] =	stream.indirect_vreg.gather [hbm4b:s3+s2], $0x80, v4, vm0, $0xb8;
	[tilespmem:$0x10400] =	vst v63  }
0x1fb: {  	_ = 	snop  }
0x1fc: {  	[tilespmem:s7], [sflag:$0x2] =	stream.indirect_vreg.gather [hbm4b:s3+s2], $0x80, v3, vm0, $0xb8;
	[tilespmem:$0x10400] =	vst v63  }
0x1fd: {  	v3 =	vld [tilespmem:$0x2B0];
	_ =	sdelay $0x4  }
0x1fe: {  	v43 =	vshll.u32 v3, $0x1  }
0x1ff: {  	v3 =	vand.u32 $0x7, v3;
	v4 =	vand.u32 $0xFFFFFFF0, v43  }
0x200: {  	v3 =	vor.u32 v3, v4  }
0x201: {  	v4 =	vperm.xlane v3, v0;
	_ =	sdelay $0x1  }
0x202: {  	v3 =	vperm.xlane v3, v2;
	v4 =	vadd.s32 v1, v4;
	_ =	sdelay $0x1  }
0x203: {  	v3 =	vadd.s32 v1, v3;
	_ =	sdelay $0x1  }
0x204: {  	s28 =	simm.s32 $0xB400  }
0x205: {  	[tilespmem:s28], [sflag:$0x2] =	stream.indirect_vreg.gather [hbm4b:s3+s2], $0x80, v4, vm0, $0xb8;
	[tilespmem:$0x10400] =	vst v63  }
0x206: {  	s28 =	simm.s32 $0xBC00  }
0x207: {  	[tilespmem:s28], [sflag:$0x2] =	stream.indirect_vreg.gather [hbm4b:s3+s2], $0x80, v3, vm0, $0xb8;
	[tilespmem:$0x10400] =	vst v63  }
0x208: {  	v3 =	vld [tilespmem:$0x2C0];
	_ =	sdelay $0x4  }
0x209: {  	v44 =	vshll.u32 v3, $0x1  }
0x20a: {  	v3 =	vand.u32 $0x7, v3;
	v4 =	vand.u32 $0xFFFFFFF0, v44  }
0x20b: {  	v3 =	vor.u32 v3, v4  }
0x20c: {  	v4 =	vperm.xlane v3, v0;
	_ =	sdelay $0x1  }
0x20d: {  	v3 =	vperm.xlane v3, v2;
	v4 =	vadd.s32 v1, v4;
	_ =	sdelay $0x1  }
0x20e: {  	v3 =	vadd.s32 v1, v3;
	_ =	sdelay $0x1  }
0x20f: {  	s21 =	simm.s32 $0xC400  }
0x210: {  	[tilespmem:s21], [sflag:$0x2] =	stream.indirect_vreg.gather [hbm4b:s3+s2], $0x80, v4, vm0, $0xb8;
	[tilespmem:$0x10400] =	vst v63  }
0x211: {  	s20 =	simm.s32 $0xCC00  }
0x212: {  	[tilespmem:s20], [sflag:$0x2] =	stream.indirect_vreg.gather [hbm4b:s3+s2], $0x80, v3, vm0, $0xb8;
	[tilespmem:$0x10400] =	vst v63  }
0x213: {  	v3 =	vld [tilespmem:$0x2D0];
	_ =	sdelay $0x4  }
0x214: {  	v45 =	vshll.u32 v3, $0x1  }
0x215: {  	v3 =	vand.u32 $0x7, v3;
	v4 =	vand.u32 $0xFFFFFFF0, v45  }
0x216: {  	v3 =	vor.u32 v3, v4  }
0x217: {  	v4 =	vperm.xlane v3, v0;
	_ =	sdelay $0x1  }
0x218: {  	v3 =	vperm.xlane v3, v2;
	v4 =	vadd.s32 v1, v4;
	_ =	sdelay $0x1  }
0x219: {  	v3 =	vadd.s32 v1, v3;
	_ =	sdelay $0x1  }
0x21a: {  	s24 =	simm.s32 $0xD400  }
0x21b: {  	[tilespmem:s24], [sflag:$0x2] =	stream.indirect_vreg.gather [hbm4b:s3+s2], $0x80, v4, vm0, $0xb8;
	[tilespmem:$0x10400] =	vst v63  }
0x21c: {  	s29 =	simm.s32 $0xDC00  }
0x21d: {  	[tilespmem:s29], [sflag:$0x2] =	stream.indirect_vreg.gather [hbm4b:s3+s2], $0x80, v3, vm0, $0xb8;
	[tilespmem:$0x10400] =	vst v63  }
0x21e: {  	v3 =	vld [tilespmem:$0x2E0];
	_ =	sdelay $0x4  }
0x21f: {  	v46 =	vshll.u32 v3, $0x1  }
0x220: {  	v3 =	vand.u32 $0x7, v3;
	v4 =	vand.u32 $0xFFFFFFF0, v46  }
0x221: {  	v3 =	vor.u32 v3, v4  }
0x222: {  	v4 =	vperm.xlane v3, v0;
	_ =	sdelay $0x1  }
0x223: {  	v3 =	vperm.xlane v3, v2;
	v4 =	vadd.s32 v1, v4;
	_ =	sdelay $0x1  }
0x224: {  	v3 =	vadd.s32 v1, v3;
	_ =	sdelay $0x1  }
0x225: {  	s23 =	simm.s32 $0xE400  }
0x226: {  	[tilespmem:s23], [sflag:$0x2] =	stream.indirect_vreg.gather [hbm4b:s3+s2], $0x80, v4, vm0, $0xb8;
	[tilespmem:$0x10400] =	vst v63  }
0x227: {  	s30 =	simm.s32 $0xEC00  }
0x228: {  	[tilespmem:s30], [sflag:$0x2] =	stream.indirect_vreg.gather [hbm4b:s3+s2], $0x80, v3, vm0, $0xb8;
	[tilespmem:$0x10400] =	vst v63  }
0x229: {  	v3 =	vld [tilespmem:$0x2F0];
	_ =	sdelay $0x4  }
0x22a: {  	v47 =	vshll.u32 v3, $0x1  }
0x22b: {  	v3 =	vand.u32 $0x7, v3;
	v4 =	vand.u32 $0xFFFFFFF0, v47  }
0x22c: {  	v3 =	vor.u32 v3, v4  }
0x22d: {  	v4 =	vperm.xlane v3, v0;
	_ =	sdelay $0x1  }
0x22e: {  	v3 =	vperm.xlane v3, v2;
	v4 =	vadd.s32 v1, v4;
	_ =	sdelay $0x1  }
0x22f: {  	v3 =	vadd.s32 v1, v3;
	_ =	sdelay $0x1  }
0x230: {  	s31 =	simm.s32 $0xF400  }
0x231: {  	[tilespmem:s31], [sflag:$0x2] =	stream.indirect_vreg.gather [hbm4b:s3+s2], $0x80, v4, vm0, $0xb8;
	[tilespmem:$0x10400] =	vst v63  }
0x232: {  	s30 =	simm.s32 $0xFC00  }
0x233: {  	[tilespmem:s30], [sflag:$0x2] =	stream.indirect_vreg.gather [hbm4b:s3+s2], $0x80, v3, vm0, $0xb8;
	[tilespmem:$0x10400] =	vst v63  }
0x234: {  	_ =	swait.ge [sflag:s12], $0x8000  }
0x235: {  	[sflag:s12] =	ssyncset.done $0x0  }
0x236: {  	s31 =	rddreg [dreg:$0x8];
	[sflag:s12] =	ssyncadd.s32 $0xFFFF8000  }
0x237: {  	[hbm4b:s31+s2] =	stream.linear.scatter [tilespmem:s25], [sflag:$0x3], $0x8000, $0x38;
	[tilespmem:$0x10400] =	vst v63  }
0x238: {  	_ =	swait.ge [sflag:s5], $0x8000  }
0x239: {  	[sflag:s5] =	ssyncset.done $0x0  }
0x23a: {  	[sflag:s5] =	ssyncadd.s32 $0xFFFF8000  }
0x23b: {  	v3 =	vld [tilespmem:$0x300];
	_ =	sdelay $0x4  }
0x23c: {  	v48 =	vshll.u32 v3, $0x1  }
0x23d: {  	v3 =	vand.u32 $0x7, v3;
	v4 =	vand.u32 $0xFFFFFFF0, v48  }
0x23e: {  	v3 =	vor.u32 v3, v4  }
0x23f: {  	v4 =	vperm.xlane v3, v0;
	_ =	sdelay $0x1  }
0x240: {  	v3 =	vperm.xlane v3, v2;
	v4 =	vadd.s32 v1, v4;
	_ =	sdelay $0x1  }
0x241: {  	v3 =	vadd.s32 v1, v3;
	_ =	sdelay $0x2  }
0x242: {  	[tilespmem:s25], [sflag:$0x1] =	stream.indirect_vreg.gather [hbm4b:s3+s2], $0x80, v4, vm0, $0xb8;
	[tilespmem:$0x10400] =	vst v63  }
0x243: {  	s31 =	simm.s32 $0xC00  }
0x244: {  	[tilespmem:s31], [sflag:$0x1] =	stream.indirect_vreg.gather [hbm4b:s3+s2], $0x80, v3, vm0, $0xb8;
	[tilespmem:$0x10400] =	vst v63  }
0x245: {  	v3 =	vld [tilespmem:$0x310];
	_ =	sdelay $0x4  }
0x246: {  	v49 =	vshll.u32 v3, $0x1  }
0x247: {  	v3 =	vand.u32 $0x7, v3;
	v4 =	vand.u32 $0xFFFFFFF0, v49  }
0x248: {  	v3 =	vor.u32 v3, v4  }
0x249: {  	v4 =	vperm.xlane v3, v0;
	_ =	sdelay $0x1  }
0x24a: {  	v3 =	vperm.xlane v3, v2;
	v4 =	vadd.s32 v1, v4;
	_ =	sdelay $0x1  }
0x24b: {  	v3 =	vadd.s32 v1, v3;
	_ =	sdelay $0x1  }
0x24c: {  	s31 =	simm.s32 $0x1400  }
0x24d: {  	[tilespmem:s31], [sflag:$0x1] =	stream.indirect_vreg.gather [hbm4b:s3+s2], $0x80, v4, vm0, $0xb8;
	[tilespmem:$0x10400] =	vst v63  }
0x24e: {  	s31 =	simm.s32 $0x1C00  }
0x24f: {  	[tilespmem:s31], [sflag:$0x1] =	stream.indirect_vreg.gather [hbm4b:s3+s2], $0x80, v3, vm0, $0xb8;
	[tilespmem:$0x10400] =	vst v63  }
0x250: {  	v3 =	vld [tilespmem:$0x320];
	_ =	sdelay $0x4  }
0x251: {  	v50 =	vshll.u32 v3, $0x1  }
0x252: {  	v3 =	vand.u32 $0x7, v3;
	v4 =	vand.u32 $0xFFFFFFF0, v50  }
0x253: {  	v3 =	vor.u32 v3, v4  }
0x254: {  	v4 =	vperm.xlane v3, v0;
	_ =	sdelay $0x1  }
0x255: {  	v3 =	vperm.xlane v3, v2;
	v4 =	vadd.s32 v1, v4;
	_ =	sdelay $0x1  }
0x256: {  	v3 =	vadd.s32 v1, v3;
	_ =	sdelay $0x1  }
0x257: {  	s31 =	simm.s32 $0x2400  }
0x258: {  	[tilespmem:s31], [sflag:$0x1] =	stream.indirect_vreg.gather [hbm4b:s3+s2], $0x80, v4, vm0, $0xb8;
	[tilespmem:$0x10400] =	vst v63  }
0x259: {  	s19 =	simm.s32 $0x2C00  }
0x25a: {  	[tilespmem:s19], [sflag:$0x1] =	stream.indirect_vreg.gather [hbm4b:s3+s2], $0x80, v3, vm0, $0xb8;
	[tilespmem:$0x10400] =	vst v63  }
0x25b: {  	v3 =	vld [tilespmem:$0x330];
	_ =	sdelay $0x4  }
0x25c: {  	v51 =	vshll.u32 v3, $0x1  }
0x25d: {  	v3 =	vand.u32 $0x7, v3;
	v4 =	vand.u32 $0xFFFFFFF0, v51  }
0x25e: {  	v3 =	vor.u32 v3, v4  }
0x25f: {  	v4 =	vperm.xlane v3, v0;
	_ =	sdelay $0x1  }
0x260: {  	v3 =	vperm.xlane v3, v2;
	v4 =	vadd.s32 v1, v4;
	_ =	sdelay $0x1  }
0x261: {  	v3 =	vadd.s32 v1, v3;
	_ =	sdelay $0x1  }
0x262: {  	s8 =	simm.s32 $0x3400  }
0x263: {  	[tilespmem:s8], [sflag:$0x1] =	stream.indirect_vreg.gather [hbm4b:s3+s2], $0x80, v4, vm0, $0xb8;
	[tilespmem:$0x10400] =	vst v63  }
0x264: {  	s31 =	simm.s32 $0x3C00  }
0x265: {  	[tilespmem:s31], [sflag:$0x1] =	stream.indirect_vreg.gather [hbm4b:s3+s2], $0x80, v3, vm0, $0xb8;
	[tilespmem:$0x10400] =	vst v63  }
0x266: {  	v3 =	vld [tilespmem:$0x340];
	_ =	sdelay $0x4  }
0x267: {  	v52 =	vshll.u32 v3, $0x1  }
0x268: {  	v3 =	vand.u32 $0x7, v3;
	v4 =	vand.u32 $0xFFFFFFF0, v52  }
0x269: {  	v3 =	vor.u32 v3, v4  }
0x26a: {  	v4 =	vperm.xlane v3, v0;
	_ =	sdelay $0x1  }
0x26b: {  	v3 =	vperm.xlane v3, v2;
	v4 =	vadd.s32 v1, v4;
	_ =	sdelay $0x1  }
0x26c: {  	v3 =	vadd.s32 v1, v3;
	_ =	sdelay $0x1  }
0x26d: {  	s9 =	simm.s32 $0x4400  }
0x26e: {  	[tilespmem:s9], [sflag:$0x1] =	stream.indirect_vreg.gather [hbm4b:s3+s2], $0x80, v4, vm0, $0xb8;
	[tilespmem:$0x10400] =	vst v63  }
0x26f: {  	s11 =	simm.s32 $0x4C00  }
0x270: {  	[tilespmem:s11], [sflag:$0x1] =	stream.indirect_vreg.gather [hbm4b:s3+s2], $0x80, v3, vm0, $0xb8;
	[tilespmem:$0x10400] =	vst v63  }
0x271: {  	v3 =	vld [tilespmem:$0x350];
	_ =	sdelay $0x4  }
0x272: {  	v53 =	vshll.u32 v3, $0x1  }
0x273: {  	v3 =	vand.u32 $0x7, v3;
	v4 =	vand.u32 $0xFFFFFFF0, v53  }
0x274: {  	v3 =	vor.u32 v3, v4  }
0x275: {  	v4 =	vperm.xlane v3, v0;
	_ =	sdelay $0x1  }
0x276: {  	v3 =	vperm.xlane v3, v2;
	v4 =	vadd.s32 v1, v4;
	_ =	sdelay $0x1  }
0x277: {  	v3 =	vadd.s32 v1, v3;
	_ =	sdelay $0x1  }
0x278: {  	s10 =	simm.s32 $0x5400  }
0x279: {  	[tilespmem:s10], [sflag:$0x1] =	stream.indirect_vreg.gather [hbm4b:s3+s2], $0x80, v4, vm0, $0xb8;
	[tilespmem:$0x10400] =	vst v63  }
0x27a: {  	s14 =	simm.s32 $0x5C00  }
0x27b: {  	[tilespmem:s14], [sflag:$0x1] =	stream.indirect_vreg.gather [hbm4b:s3+s2], $0x80, v3, vm0, $0xb8;
	[tilespmem:$0x10400] =	vst v63  }
0x27c: {  	v3 =	vld [tilespmem:$0x360];
	_ =	sdelay $0x4  }
0x27d: {  	v54 =	vshll.u32 v3, $0x1  }
0x27e: {  	v3 =	vand.u32 $0x7, v3;
	v4 =	vand.u32 $0xFFFFFFF0, v54  }
0x27f: {  	v3 =	vor.u32 v3, v4  }
0x280: {  	v4 =	vperm.xlane v3, v0;
	_ =	sdelay $0x1  }
0x281: {  	v3 =	vperm.xlane v3, v2;
	v4 =	vadd.s32 v1, v4;
	_ =	sdelay $0x1  }
0x282: {  	v3 =	vadd.s32 v1, v3;
	_ =	sdelay $0x1  }
0x283: {  	s15 =	simm.s32 $0x6400  }
0x284: {  	[tilespmem:s15], [sflag:$0x1] =	stream.indirect_vreg.gather [hbm4b:s3+s2], $0x80, v4, vm0, $0xb8;
	[tilespmem:$0x10400] =	vst v63  }
0x285: {  	s16 =	simm.s32 $0x6C00  }
0x286: {  	[tilespmem:s16], [sflag:$0x1] =	stream.indirect_vreg.gather [hbm4b:s3+s2], $0x80, v3, vm0, $0xb8;
	[tilespmem:$0x10400] =	vst v63  }
0x287: {  	v3 =	vld [tilespmem:$0x370];
	_ =	sdelay $0x4  }
0x288: {  	v55 =	vshll.u32 v3, $0x1  }
0x289: {  	v3 =	vand.u32 $0x7, v3;
	v4 =	vand.u32 $0xFFFFFFF0, v55  }
0x28a: {  	v3 =	vor.u32 v3, v4  }
0x28b: {  	v4 =	vperm.xlane v3, v0;
	_ =	sdelay $0x1  }
0x28c: {  	v3 =	vperm.xlane v3, v2;
	v4 =	vadd.s32 v1, v4;
	_ =	sdelay $0x1  }
0x28d: {  	v3 =	vadd.s32 v1, v3;
	_ =	sdelay $0x1  }
0x28e: {  	s17 =	simm.s32 $0x7400  }
0x28f: {  	[tilespmem:s17], [sflag:$0x1] =	stream.indirect_vreg.gather [hbm4b:s3+s2], $0x80, v4, vm0, $0xb8;
	[tilespmem:$0x10400] =	vst v63  }
0x290: {  	s18 =	simm.s32 $0x7C00  }
0x291: {  	[tilespmem:s18], [sflag:$0x1] =	stream.indirect_vreg.gather [hbm4b:s3+s2], $0x80, v3, vm0, $0xb8;
	[tilespmem:$0x10400] =	vst v63  }
0x292: {  	_ =	swait.ge [sflag:s13], $0x8000  }
0x293: {  	[sflag:s13] =	ssyncset.done $0x0  }
0x294: {  	s18 =	rddreg [dreg:$0x9];
	[sflag:s13] =	ssyncadd.s32 $0xFFFF8000  }
0x295: {  	[hbm4b:s18+s2] =	stream.linear.scatter [tilespmem:s22], [sflag:$0x3], $0x8000, $0x38;
	[tilespmem:$0x10400] =	vst v63  }
0x296: {  	_ =	swait.ge [sflag:s5], $0x8000  }
0x297: {  	[sflag:s5] =	ssyncset.done $0x0  }
0x298: {  	[sflag:s5] =	ssyncadd.s32 $0xFFFF8000  }
0x299: {  	v3 =	vld [tilespmem:$0x380];
	_ =	sdelay $0x4  }
0x29a: {  	v56 =	vshll.u32 v3, $0x1  }
0x29b: {  	v3 =	vand.u32 $0x7, v3;
	v4 =	vand.u32 $0xFFFFFFF0, v56  }
0x29c: {  	v3 =	vor.u32 v3, v4  }
0x29d: {  	v4 =	vperm.xlane v3, v0;
	_ =	sdelay $0x1  }
0x29e: {  	v3 =	vperm.xlane v3, v2;
	v4 =	vadd.s32 v1, v4;
	_ =	sdelay $0x1  }
0x29f: {  	v3 =	vadd.s32 v1, v3;
	_ =	sdelay $0x2  }
0x2a0: {  	[tilespmem:s22], [sflag:$0x2] =	stream.indirect_vreg.gather [hbm4b:s3+s2], $0x80, v4, vm0, $0xb8;
	[tilespmem:$0x10400] =	vst v63  }
0x2a1: {  	s19 =	simm.s32 $0x8C00  }
0x2a2: {  	[tilespmem:s19], [sflag:$0x2] =	stream.indirect_vreg.gather [hbm4b:s3+s2], $0x80, v3, vm0, $0xb8;
	[tilespmem:$0x10400] =	vst v63  }
0x2a3: {  	v3 =	vld [tilespmem:$0x390];
	_ =	sdelay $0x4  }
0x2a4: {  	v57 =	vshll.u32 v3, $0x1  }
0x2a5: {  	v3 =	vand.u32 $0x7, v3;
	v4 =	vand.u32 $0xFFFFFFF0, v57  }
0x2a6: {  	v3 =	vor.u32 v3, v4  }
0x2a7: {  	v4 =	vperm.xlane v3, v0;
	_ =	sdelay $0x1  }
0x2a8: {  	v3 =	vperm.xlane v3, v2;
	v4 =	vadd.s32 v1, v4;
	_ =	sdelay $0x1  }
0x2a9: {  	v3 =	vadd.s32 v1, v3;
	_ =	sdelay $0x1  }
0x2aa: {  	s0 =	simm.s32 $0x9400  }
0x2ab: {  	[tilespmem:s0], [sflag:$0x2] =	stream.indirect_vreg.gather [hbm4b:s3+s2], $0x80, v4, vm0, $0xb8;
	[tilespmem:$0x10400] =	vst v63  }
0x2ac: {  	s6 =	simm.s32 $0x9C00  }
0x2ad: {  	[tilespmem:s6], [sflag:$0x2] =	stream.indirect_vreg.gather [hbm4b:s3+s2], $0x80, v3, vm0, $0xb8;
	[tilespmem:$0x10400] =	vst v63  }
0x2ae: {  	v3 =	vld [tilespmem:$0x3A0];
	_ =	sdelay $0x4  }
0x2af: {  	v58 =	vshll.u32 v3, $0x1  }
0x2b0: {  	v3 =	vand.u32 $0x7, v3;
	v4 =	vand.u32 $0xFFFFFFF0, v58  }
0x2b1: {  	v3 =	vor.u32 v3, v4  }
0x2b2: {  	v4 =	vperm.xlane v3, v0;
	_ =	sdelay $0x1  }
0x2b3: {  	v3 =	vperm.xlane v3, v2;
	v4 =	vadd.s32 v1, v4;
	_ =	sdelay $0x1  }
0x2b4: {  	v3 =	vadd.s32 v1, v3;
	_ =	sdelay $0x1  }
0x2b5: {  	s1 =	simm.s32 $0xA400  }
0x2b6: {  	[tilespmem:s1], [sflag:$0x2] =	stream.indirect_vreg.gather [hbm4b:s3+s2], $0x80, v4, vm0, $0xb8;
	[tilespmem:$0x10400] =	vst v63  }
0x2b7: {  	s7 =	simm.s32 $0xAC00  }
0x2b8: {  	[tilespmem:s7], [sflag:$0x2] =	stream.indirect_vreg.gather [hbm4b:s3+s2], $0x80, v3, vm0, $0xb8;
	[tilespmem:$0x10400] =	vst v63  }
0x2b9: {  	v3 =	vld [tilespmem:$0x3B0];
	_ =	sdelay $0x4  }
0x2ba: {  	v59 =	vshll.u32 v3, $0x1  }
0x2bb: {  	v3 =	vand.u32 $0x7, v3;
	v4 =	vand.u32 $0xFFFFFFF0, v59  }
0x2bc: {  	v3 =	vor.u32 v3, v4  }
0x2bd: {  	v4 =	vperm.xlane v3, v0;
	_ =	sdelay $0x1  }
0x2be: {  	v3 =	vperm.xlane v3, v2;
	v4 =	vadd.s32 v1, v4;
	_ =	sdelay $0x1  }
0x2bf: {  	v3 =	vadd.s32 v1, v3;
	_ =	sdelay $0x1  }
0x2c0: {  	s26 =	simm.s32 $0xB400  }
0x2c1: {  	[tilespmem:s26], [sflag:$0x2] =	stream.indirect_vreg.gather [hbm4b:s3+s2], $0x80, v4, vm0, $0xb8;
	[tilespmem:$0x10400] =	vst v63  }
0x2c2: {  	s26 =	simm.s32 $0xBC00  }
0x2c3: {  	[tilespmem:s26], [sflag:$0x2] =	stream.indirect_vreg.gather [hbm4b:s3+s2], $0x80, v3, vm0, $0xb8;
	[tilespmem:$0x10400] =	vst v63  }
0x2c4: {  	v3 =	vld [tilespmem:$0x3C0];
	_ =	sdelay $0x4  }
0x2c5: {  	v60 =	vshll.u32 v3, $0x1  }
0x2c6: {  	v3 =	vand.u32 $0x7, v3;
	v4 =	vand.u32 $0xFFFFFFF0, v60  }
0x2c7: {  	v3 =	vor.u32 v3, v4  }
0x2c8: {  	v4 =	vperm.xlane v3, v0;
	_ =	sdelay $0x1  }
0x2c9: {  	v3 =	vperm.xlane v3, v2;
	v4 =	vadd.s32 v1, v4;
	_ =	sdelay $0x1  }
0x2ca: {  	v3 =	vadd.s32 v1, v3;
	_ =	sdelay $0x1  }
0x2cb: {  	s28 =	simm.s32 $0xC400  }
0x2cc: {  	[tilespmem:s28], [sflag:$0x2] =	stream.indirect_vreg.gather [hbm4b:s3+s2], $0x80, v4, vm0, $0xb8;
	[tilespmem:$0x10400] =	vst v63  }
0x2cd: {  	s21 =	simm.s32 $0xCC00  }
0x2ce: {  	[tilespmem:s21], [sflag:$0x2] =	stream.indirect_vreg.gather [hbm4b:s3+s2], $0x80, v3, vm0, $0xb8;
	[tilespmem:$0x10400] =	vst v63  }
0x2cf: {  	v3 =	vld [tilespmem:$0x3D0];
	_ =	sdelay $0x4  }
0x2d0: {  	v61 =	vshll.u32 v3, $0x1  }
0x2d1: {  	v3 =	vand.u32 $0x7, v3;
	v4 =	vand.u32 $0xFFFFFFF0, v61  }
0x2d2: {  	v3 =	vor.u32 v3, v4  }
0x2d3: {  	v4 =	vperm.xlane v3, v0;
	_ =	sdelay $0x1  }
0x2d4: {  	v3 =	vperm.xlane v3, v2;
	v4 =	vadd.s32 v1, v4;
	_ =	sdelay $0x1  }
0x2d5: {  	v3 =	vadd.s32 v1, v3;
	_ =	sdelay $0x1  }
0x2d6: {  	s28 =	simm.s32 $0xD400  }
0x2d7: {  	[tilespmem:s28], [sflag:$0x2] =	stream.indirect_vreg.gather [hbm4b:s3+s2], $0x80, v4, vm0, $0xb8;
	[tilespmem:$0x10400] =	vst v63  }
0x2d8: {  	s24 =	simm.s32 $0xDC00  }
0x2d9: {  	[tilespmem:s24], [sflag:$0x2] =	stream.indirect_vreg.gather [hbm4b:s3+s2], $0x80, v3, vm0, $0xb8;
	[tilespmem:$0x10400] =	vst v63  }
0x2da: {  	v3 =	vld [tilespmem:$0x3E0];
	_ =	sdelay $0x4  }
0x2db: {  	v62 =	vshll.u32 v3, $0x1  }
0x2dc: {  	v3 =	vand.u32 $0x7, v3;
	v4 =	vand.u32 $0xFFFFFFF0, v62  }
0x2dd: {  	v3 =	vor.u32 v3, v4  }
0x2de: {  	v4 =	vperm.xlane v3, v0;
	_ =	sdelay $0x1  }
0x2df: {  	v3 =	vperm.xlane v3, v2;
	v4 =	vadd.s32 v1, v4;
	_ =	sdelay $0x1  }
0x2e0: {  	v3 =	vadd.s32 v1, v3;
	_ =	sdelay $0x1  }
0x2e1: {  	s20 =	simm.s32 $0xE400  }
0x2e2: {  	[tilespmem:s20], [sflag:$0x2] =	stream.indirect_vreg.gather [hbm4b:s3+s2], $0x80, v4, vm0, $0xb8;
	[tilespmem:$0x10400] =	vst v63  }
0x2e3: {  	s23 =	simm.s32 $0xEC00  }
0x2e4: {  	[tilespmem:s23], [sflag:$0x2] =	stream.indirect_vreg.gather [hbm4b:s3+s2], $0x80, v3, vm0, $0xb8;
	[tilespmem:$0x10400] =	vst v63  }
0x2e5: {  	v3 =	vld [tilespmem:$0x3F0];
	_ =	sdelay $0x4  }
0x2e6: {  	v63 =	vshll.u32 v3, $0x1  }
0x2e7: {  	v3 =	vand.u32 $0x7, v3;
	v4 =	vand.u32 $0xFFFFFFF0, v63  }
0x2e8: {  	v3 =	vor.u32 v3, v4  }
0x2e9: {  	v4 =	vperm.xlane v3, v0;
	_ =	sdelay $0x1  }
0x2ea: {  	v3 =	vperm.xlane v3, v2;
	v4 =	vadd.s32 v1, v4;
	_ =	sdelay $0x1  }
0x2eb: {  	v3 =	vadd.s32 v1, v3;
	_ =	sdelay $0x1  }
0x2ec: {  	s29 =	simm.s32 $0xF400  }
0x2ed: {  	[tilespmem:s29], [sflag:$0x2] =	stream.indirect_vreg.gather [hbm4b:s3+s2], $0x80, v4, vm0, $0xb8;
	[tilespmem:$0x10400] =	vst v63  }
0x2ee: {  	s30 =	simm.s32 $0xFC00  }
0x2ef: {  	[tilespmem:s30], [sflag:$0x2] =	stream.indirect_vreg.gather [hbm4b:s3+s2], $0x80, v3, vm0, $0xb8;
	[tilespmem:$0x10400] =	vst v63  }
0x2f0: {  	_ =	swait.ge [sflag:s12], $0x8000  }
0x2f1: {  	[sflag:s12] =	ssyncset.done $0x0  }
0x2f2: {  	s30 =	rddreg [dreg:$0xa];
	[sflag:s12] =	ssyncadd.s32 $0xFFFF8000  }
0x2f3: {  	[hbm4b:s30+s2] =	stream.linear.scatter [tilespmem:s25], [sflag:$0x3], $0x8000, $0x38;
	[tilespmem:$0x10400] =	vst v63  }
0x2f4: {  	_ =	swait.ge [sflag:s5], $0x8000  }
0x2f5: {  	[sflag:s5] =	ssyncset.done $0x0  }
0x2f6: {  	[sflag:s5] =	ssyncadd.s32 $0xFFFF8000  }
0x2f7: {  	_ =	swait.ge [sflag:s13], $0x8000  }
0x2f8: {  	p0 =	sne.s32 s4, $0x1;
	[sflag:s13] =	ssyncset.done $0x0  }
.Ltmp0:
0x2f9: {  	s31 =	rddreg [dreg:$0xb];
	[sflag:s13] =	ssyncadd.s32 $0xFFFF8000;
	(pc) =	sbr.rel @p0 .LBB2_1-.Ltmp0, $4  }
0x2fa: {  	[hbm4b:s31+s2] =	stream.linear.scatter [tilespmem:s22], [sflag:$0x3], $0x8000, $0x38;
	[tilespmem:$0x10400] =	vst v63  }
0x2fb: {  	_ =	swait.ge [sflag:s5], $0x8000  }
0x2fc: {  	[sflag:s5] =	ssyncset.done $0x0  }
0x2fd: {  	s4 =	sadd.s32 $0xFFFFFFFF, s4;
	[sflag:s5] =	ssyncadd.s32 $0xFFFF8000  }
0x2fe: {  	_ =	sfence.sel $0x180000  }
0x2ff: {  	[bflag:$0x0] =	sbarrier.arrive $0xFFFF  }
0x300: {  	_ =	strace $0x9000004A  }
0x301: {  	s0 =	stileid.u32;
	[bflag:$0x2] =	sbarrier.arrive $0xFFFF  }
0x302: {  	p0 =	sne.s32 s0, $0x0;
	s0 =	rddreg [dreg:$0x2]  }
0x303: {  	s0 =	sadd.s32 @!p0 $0x100000, s0  }
0x304: {  	[sflag:s0] =	ssyncadd.tile.s32 @!p0 $0x1;
	_ =	shalt  }
.Lfunc_end2:
_tile_overlayer_lowered:
.L_overlay_start_2:
0x305: {  	(tag) =	ssettag $0x2  }
0x306: {  	s0 =	rddreg [dreg:$0x0];
	s2 =	stileid.u32  }
0x307: {  	s1 =	rddreg [dreg:$0x1];
	p0 =	sne.s32 s2, $0x0  }
0x308: {  	s3 =	rddreg [dreg:$0x2];
	[bflag:$0x3] =	sbarrier.arrive $0xFFFF;
	s2 =	simm.s32 @!p0 $0x1C03  }
0x309: {  	[timem:s3], [sflag:s2] =	dma.local @!p0 [hbm:s0], s1  }
0x30a: {  	s0 =	simm.s32 @!p0 $0x3  }
0x30b: {  	_ =	swait.ge @!p0 [sflag:s0], s1  }
0x30c: {  	s1 =	ssub.s32 @!p0 $0x0, s1;
	[sflag:s0] =	ssyncset.done @!p0 $0x0  }
0x30d: {  	[sflag:s0] =	ssyncadd.s32 @!p0 s1  }
0x30e: {  	[bflag:$0x3] =	sbarrier.arrive $0xFFFF  }
0x30f: {  	_ =	shalt  }

// kernel: sparse-core-data-format-call.cloned.1.call-start
scs
called_computation_lowered:
.L_overlay_start_0:
0x0: {  	s2 =	sld [smem:$0x3FD9]  }
0x1: {  	s3 =	sld [smem:$0x3FFE];
	_ =	sdelay $0x1  }
0x2: {  	s1 =	srdreg.scid  }
0x3: {  	s0 =	sand.u32 $0x1, s1  }
0x4: {  	s18 =	sshll.u32 s0, $0xA;
	s2 =	sadd.s32 s3, s2  }
0x5: {  	s2 =	sadd.s32 s2, s18  }
0x6: {  	[smem:$0x3FC5] =	sst s2  }
0x7: {  	_ = 	snop  }
0x8: {  	s2 =	sld [smem:$0x3FC8];
	(tm) =	ssettm $0x1  }
0x9: {  	s19 =	sld [smem:$0x3FFB];
	_ =	sdelay $0x3  }
0xa: {  	_ =	strace s19  }
0xb: {  	s3 =	sld [smem:$0x3FFC];
	_ =	sdelay $0x3  }
0xc: {  	_ =	strace s3  }
0xd: {  	s3 =	sld [smem:$0x3FFD];
	_ =	sdelay $0x3  }
0xe: {  	_ =	strace s3  }
0xf: {  	_ =	strace $0x8FFFFFFF  }
0x10: {  	s20 =	sld [smem:$0x3FDB];
	_ =	sdelay $0x1  }
0x11: {  	s4 =	simm.s32 $_scs_section_size  }
0x12: {  	s5 =	simm.s32 $_size__tile_overlayer_lowered;
	s6 =	simm.s32 $_tile_overlayer_lowered  }
0x13: {  	s23 =	simm.s32 $0x1BFF;
	s22 =	sshll.u32 s6, $0x1;
	s3 =	sadd.s32 s4, s20  }
0x14: {  	s7 =	simm.s32 $0x0;
	s21 =	sshll.u32 s5, $0x1;
	s5 =	sadd.s32 s22, s3  }
0x15: {  	[timem:s7], [sflag:s23] =	dma.local [hbm:s5], s21  }
0x16: {  	_ =	swait.ge [sflag:s23], s21  }
0x17: {  	s4 =	ssub.s32 $0x0, s21;
	[sflag:s23] =	ssyncset.done $0x0  }
0x18: {  	[sflag:s23] =	ssyncadd.s32 s4;
	_ =	sdelay $0x1  }
0x19: {  	s24 =	simm.s32 $0x1B8B  }
0x1a: {  	_ =	swait.ge [sflag:s24], $0x1  }
0x1b: {  	[sflag:s24] =	ssyncset.done $0x0  }
0x1c: {  	s26 =	simm.s32 $0x1B8E;
	s25 =	sld [smem:$0x3FFE];
	[sflag:s24] =	ssyncadd.s32 $0xFFFFFFFF  }
0x1d: {  	s27 =	simm.s32 $execute0_lowered;
	[smem:$0x3FD2] =	sst s26  }
0x1e: {  	s5 =	sshll.u32 s27, $0x1;
	_ =	strace $0x80000046;
	[dreg:$0x1] =	wrdreg $0xFFFFFFFF  }
0x1f: {  	s28 =	simm.s32 $_size_execute0_lowered;
	s3 =	sadd.s32 s3, s5;
	[dreg:$0x0] =	wrdreg $0x0  }
0x20: {  	s5 =	sshll.u32 s28, $0x1;
	[dreg:$0x2] =	wrdreg s3  }
0x21: {  	[dreg:$0x3] =	wrdreg s5  }
0x22: {  	[dreg:$0x4] =	wrdreg $0xC0  }
0x23: {  	_ =	task [dreg:s7], $0x5FFFF  }
0x24: {  	[dreg:$0x1] =	wrdreg $0xFFFFFFFF  }
0x25: {  	[dreg:$0x0] =	wrdreg $0x60  }
0x26: {  	[dreg:$0x2] =	wrdreg s2  }
0x27: {  	[dreg:$0x3] =	wrdreg s25  }
0x28: {  	[dreg:$0x4] =	wrdreg $0x9  }
0x29: {  	_ =	task.clear_ibuf [dreg:s7], $0x5FFFF;
	_ =	strace $0x90000046  }
0x2a: {  	s29 =	simm.s32 $0x9;
	_ =	strace $0x80000048  }
0x2b: {  	_ =	swait.ge [sflag:s29], $0x1  }
0x2c: {  	[sflag:s29] =	ssyncadd.s32 $0xFFFFFFFF  }
0x2d: {  	_ =	strace $0x90000048  }
0x2e: {  	_ =	sfence  }
0x2f: {  	s30 =	sld [smem:$0x0];
	_ =	sdelay $0x2  }
0x30: {  	s31 =	sshll.u32 s1, $0xD;
	s1 =	sshrl.u32 s1, $0x2  }
0x31: {  	s3 =	sand.u32 $0x4000, s31;
	s1 =	sadd.s32 s1, s30  }
0x32: {  	s0 =	sor.u32 s3, s0;
	s1 =	sshll.u32 s1, $0x11  }
0x33: {  	s0 =	sor.u32 s1, s0  }
0x34: {  	s0 =	sadd.s32 $0x8F2B, s0  }
0x35: {  	[sflag:s0] =	ssyncadd.remote.s32 $0x1  }
0x36: {  	_ =	sfence.sel $0xFFFF  }
0x37: {  	[dreg:$0x0] =	wrdreg $0xFFFFFFFF;
	(pc) =	sbr.abs _section_cstart, $3  }
0x38: {  	[dreg:$0x1] =	wrdreg $0xFFFFFFFF  }
0x39: {  	_ =	task.clear_ibuf [dreg:s7], $0x2FFFF;
	_ =	strace $0x9FFFFFFF  }
0x3a: {  	(tm) =	ssettm $0x7FFFFFFF  }
0x3b: {  	_ =	shalt  }
tec
execute0_lowered:
.L_overlay_start_1:
0x0: {  	(tag) =	ssettag $0x1  }
0x1: {  	s2 =	rddreg [dreg:$0x0]  }
0x2: {  	s0 =	srdreg.scid;
	s4 =	rddreg [dreg:$0x1]  }
0x3: {  	s1 =	stileid.u32;
	s5 =	simm.s32 $0x1;
	s0 =	sshll.u32 s0, $0x4  }
0x4: {  	s7 =	simm.s32 $0x2;
	s8 =	simm.s32 $0x0;
	s3 =	sand.u32 $0x10, s0  }
.Ltmp0:
0x5: {  	s12 =	simm.s32 $0x0;
	s3 =	sor.u32 s1, s3;
	(pc) =	sbr.rel .LBB1_1-.Ltmp0, $4  }
0x6: {  	s10 =	simm.s32 $0x0;
	s11 =	simm.s32 $0x0;
	s3 =	sshll.u32 s3, $0x3  }
0x7: {  	s0 =	rddreg [dreg:$0x2];
	_ =	strace $0x80000047;
	s6 =	ssub.s32 $0x30D0, s3  }
0x8: {  	s4 =	sadd.s32 $0xA00, s4;
	[sflag:s5] =	ssyncpa.u1 $0x0;
	s6 =	sshrl.u32 s6, $0x8  }
0x9: {  	[sflag:s7] =	ssyncpa.u1 $0x0;
	s9 =	smov.u32 s3;
	s7 =	sadd.s32 $0x2, s6  }
.LBB1_9:
0xa: {  	s14 =	sshll.u32 s10, $0x8  }
0xb: {  	s14 =	sadd.s32 s4, s14  }
0xc: {  	[hbm4b:s14+s8] =	stream.linear.scatter [tilespmem:s15], [sflag:$0x2], s13, $0x38;
	[tilespmem:$0x10000] =	vst v63  }
.LBB1_10:
0xd: {  	p0 =	slt.u32 s11, $0x2  }
0xe: {  	p1 =	sgt.s32 @!p0 s12, $0x30CC  }
0xf: {  	s13 =	smov.u32 s12;
	s14 =	sshra.s32 @!p0 s12, $0x1F;
	p1 =	por !p1, p0  }
0x10: {  	s12 =	sand.u32 @!p0 s14, s12;
	s13 =	simm.s32 @p1 $0x30CC  }
0x11: {  	s12 =	ssub.s32 @!p0 s13, s12  }
0x12: {  	s12 =	sadd.s32 @!p0 $0xFFFFCF34, s12  }
0x13: {  	s13 =	sshll.u32 @!p0 s12, $0xD  }
0x14: {  	p1 =	sgt.s32 @!p0 s12, $0x7;
	s12 =	ssub.s32 @!p0 $0x10000, s13  }
0x15: {  	s14 =	sadd.s32 $0x100, s9;
	p1 =	por !p1, p0;
	s12 =	sshrl.u32 @!p0 s12, $0x2  }
0x16: {  	s12 =	simm.s32 @!p1 $0x0;
	p1 =	sgt.s32 s14, $0x30D3  }
0x17: {  	s14 =	smov.u32 @p1 s3;
	p1 =	sne.s32 s11, s7  }
.Ltmp1:
0x18: {  	_ = 	snop;
	(pc) =	sbr.rel @!p1 .LBB1_11-.Ltmp1, $4  }
0x19: {  	s13 =	simm.s32 @!p0 $0x2  }
0x1a: {  	_ =	swait.ge @!p0 [sflag:s13], s12;
	s15 =	ssub.s32 @!p0 $0x0, s12  }
0x1b: {  	s12 =	smov.u32 s10;
	s11 =	sadd.s32 $0x1, s11;
	[sflag:s13] =	ssyncset.done @!p0 $0x0  }
0x1c: {  	s10 =	smov.u32 s9;
	s9 =	smov.u32 s14;
	[sflag:s13] =	ssyncadd.s32 @!p0 s15  }
.LBB1_1:
0x1d: {  	p0 =	sgt.u32 s11, s6  }
0x1e: {  	p1 =	sgt.s32 @!p0 s9, $0x30CC  }
0x1f: {  	s13 =	smov.u32 s9;
	s14 =	sshra.s32 @!p0 s9, $0x1F;
	p1 =	por !p1, p0  }
0x20: {  	s14 =	sand.u32 @!p0 s14, s9;
	s13 =	simm.s32 @p1 $0x30CC  }
0x21: {  	s13 =	ssub.s32 @!p0 s13, s14  }
0x22: {  	s13 =	sadd.s32 @!p0 $0xFFFFCF34, s13  }
0x23: {  	s16 =	simm.s32 @!p0 $0x0;
	s14 =	sxor.u32 @!p0 $0xFFFFFFFF, s11;
	s15 =	sshll.u32 @!p0 s13, $0xD  }
0x24: {  	s14 =	sshll.u32 @!p0 s14, $0xE;
	p1 =	sgt.s32 @!p0 s13, $0x7;
	s13 =	ssub.s32 @!p0 $0x10000, s15  }
0x25: {  	p1 =	por !p1, p0;
	s15 =	sshll.u32 @!p0 s9, $0x8;
	s13 =	sshrl.u32 @!p0 s13, $0x2  }
0x26: {  	s14 =	sand.u32 @!p0 $0x4000, s14;
	s15 =	sadd.s32 @!p0 s2, s15;
	s13 =	simm.s32 @!p1 $0x0  }
0x27: {  	[tilespmem:s14], [sflag:$0x1] =	stream.linear.gather @!p0 [hbm4b:s15+s16], s13, $0x38;
	[tilespmem:$0x10000] =	vst v63  }
0x28: {  	p0 =	seq.s32 s11, $0x0  }
0x29: {  	p1 =	sge.u32 @!p0 s11, s7  }
0x2a: {  	p0 =	por p0, p1  }
.Ltmp2:
0x2b: {  	_ = 	snop;
	(pc) =	sbr.rel @p0 .LBB1_10-.Ltmp2, $1  }
0x2c: {  	_ =	sdelay $0x3  }
0x2d: {  	p0 =	sgt.s32 s10, $0x30CC;
	s13 =	smov.u32 s10;
	s14 =	sshra.s32 s10, $0x1F  }
0x2e: {  	s13 =	simm.s32 @!p0 $0x30CC;
	s14 =	sand.u32 s14, s10  }
0x2f: {  	s13 =	ssub.s32 s13, s14  }
0x30: {  	s13 =	sadd.s32 $0xFFFFCF34, s13  }
0x31: {  	s31 =	sshll.u32 s13, $0xD  }
0x32: {  	s14 =	ssub.s32 $0x10000, s31  }
0x33: {  	p0 =	sgt.s32 s13, $0x7;
	s13 =	sshrl.u32 s14, $0x2;
	s14 =	sadd.s32 $0x8, s10  }
0x34: {  	s13 =	simm.s32 @p0 $0x0;
	p0 =	slt.s32 s14, $0x30D4  }
0x35: {  	s14 =	simm.s32 @!p0 $0x30D4  }
0x36: {  	s14 =	ssub.s32 s14, s10  }
0x37: {  	p0 =	slt.s32 s14, $0x1  }
.Ltmp3:
0x38: {  	_ = 	snop;
	(pc) =	sbr.rel @p0 .LBB1_9-.Ltmp3, $4  }
0x39: {  	_ = 	snop  }
0x3a: {  	s16 =	sshll.u32 s11, $0xE;
	_ =	swait.ge [sflag:s5], s13  }
0x3b: {  	s16 =	sand.u32 $0x4000, s16;
	s15 =	ssub.s32 $0x0, s13;
	[sflag:s5] =	ssyncset.done $0x0  }
0x3c: {  	[sflag:s5] =	ssyncadd.s32 s15;
	s15 =	sor.u32 $0x8000, s16  }
0x3d: {  	s17 =	simm.s32 $0x0  }
.LBB1_4:
0x3e: {  	s19 =	sshll.u32 s17, $0xB  }
0x3f: {  	s20 =	simm.s32 $0x0;
	s18 =	sadd.s32 s19, s16;
	s19 =	sadd.s32 s19, s15  }
.LBB1_5:
0x40: {  	s21 =	sshll.u32 s20, $0x8  }
0x41: {  	s21 =	sand.u32 $0x3FFFFF00, s21  }
0x42: {  	s22 =	sshll.u32 s20, $0x7;
	s23 =	sadd.s32 s21, s18  }
0x43: {  	s22 =	sand.u32 $0x3FFFFF80, s22;
	v0 =	vmov s23  }
0x44: {  	s22 =	sadd.s32 s22, s19  }
0x45: {  	p0 =	por $0x1, $0x1;
	s21 =	simm.s32 $0x0;
	v1 =	vmov s22  }
.LBB1_6:
0x46: {  	s22 =	sshll.u32 s21, $0x7  }
0x47: {  	s22 =	sand.u32 $0x3FFFFF80, s22  }
0x48: {  	v2 =	vld.idx.msk [tilespmem:v0+s22+$0x0 ss:$0x1], $0xffff  }
0x49: {  	v3 =	vld.idx.msk [tilespmem:v0+s22+$0x10 ss:$0x1], $0xffff  }
0x4a: {  	v4 =	vld.idx.msk [tilespmem:v0+s22+$0x20 ss:$0x1], $0xffff  }
0x4b: {  	s31 =	sshll.u32 s21, $0xA;
	v5 =	vld.idx.msk [tilespmem:v0+s22+$0x30 ss:$0x1], $0xffff  }
0x4c: {  	s21 =	sand.u32 $0x3FFFFC00, s31;
	v6 =	vld.idx.msk [tilespmem:v0+s22+$0x40 ss:$0x1], $0xffff  }
0x4d: {  	v63 =	vld.idx.msk [tilespmem:v0+s22+$0x70 ss:$0x1], $0xffff;
	[tilespmem:v1+s21+$0x0 ss:$0x1] =	vst.idx.msk $0xffff, v2  }
0x4e: {  	v2 =	vld.idx.msk [tilespmem:v0+s22+$0x50 ss:$0x1], $0xffff;
	[tilespmem:v1+s21+$0x10 ss:$0x1] =	vst.idx.msk $0xffff, v3  }
0x4f: {  	p1 =	por p0, p0;
	v3 =	vld.idx.msk [tilespmem:v0+s22+$0x60 ss:$0x1], $0xffff;
	[tilespmem:v1+s21+$0x20 ss:$0x1] =	vst.idx.msk $0xffff, v4  }
.Ltmp4:
0x50: {  	[tilespmem:v1+s21+$0x30 ss:$0x1] =	vst.idx.msk $0xffff, v5;
	(pc) =	sbr.rel @p1 .LBB1_6-.Ltmp4, $4  }
0x51: {  	[tilespmem:v1+s21+$0x40 ss:$0x1] =	vst.idx.msk $0xffff, v6  }
0x52: {  	[tilespmem:v1+s21+$0x70 ss:$0x1] =	vst.idx.msk $0xffff, v63  }
0x53: {  	[tilespmem:v1+s21+$0x50 ss:$0x1] =	vst.idx.msk $0xffff, v2  }
0x54: {  	p0 =	por $0x0, $0x0;
	[tilespmem:v1+s21+$0x60 ss:$0x1] =	vst.idx.msk $0xffff, v3;
	s21 =	simm.s32 $0x1  }
0x55: {  	s20 =	sadd.s32 $0x1, s20  }
0x56: {  	p0 =	sne.s32 s20, $0x8  }
.Ltmp5:
0x57: {  	_ = 	snop;
	(pc) =	sbr.rel @p0 .LBB1_5-.Ltmp5, $1  }
0x58: {  	_ =	sdelay $0x3  }
0x59: {  	s17 =	sadd.s32 $0x1, s17  }
0x5a: {  	p0 =	sne.s32 s17, s14  }
.Ltmp6:
0x5b: {  	_ = 	snop;
	(pc) =	sbr.rel @p0 .LBB1_4-.Ltmp6, $4  }
.Ltmp7:
0x5c: {  	_ = 	snop;
	(pc) =	sbr.rel @!p0 .LBB1_9-.Ltmp7, $4  }
0x5d: {  	_ = 	snop  }
0x5e: {  	_ = 	snop  }
0x5f: {  	_ = 	snop  }
0x60: {  	_ = 	snop  }
.LBB1_11:
0x61: {  	_ =	sfence.sel $0x180000  }
0x62: {  	s2 =	simm.s32 $0x1;
	[bflag:$0x0] =	sbarrier.arrive $0xFFFF  }
0x63: {  	s31 =	simm.s32 $0x2;
	[sflag:s2] =	ssyncpa.u1 $0x1  }
0x64: {  	[sflag:s31] =	ssyncpa.u1 $0x1  }
0x65: {  	p0 =	sne.s32 s1, $0x0;
	_ =	strace $0x90000047  }
0x66: {  	s0 =	sadd.s32 @!p0 $0x100000, s0;
	[bflag:$0x2] =	sbarrier.arrive $0xFFFF  }
0x67: {  	[sflag:s0] =	ssyncadd.tile.s32 @!p0 $0x1;
	_ =	shalt  }
.Lfunc_end1:
_tile_overlayer_lowered:
.L_overlay_start_2:
0x68: {  	(tag) =	ssettag $0x2  }
0x69: {  	s0 =	rddreg [dreg:$0x0];
	s2 =	stileid.u32  }
0x6a: {  	s1 =	rddreg [dreg:$0x1];
	p0 =	sne.s32 s2, $0x0  }
0x6b: {  	s3 =	rddreg [dreg:$0x2];
	[bflag:$0x3] =	sbarrier.arrive $0xFFFF;
	s2 =	simm.s32 @!p0 $0x1C01  }
0x6c: {  	[timem:s3], [sflag:s2] =	dma.local @!p0 [hbm:s0], s1  }
0x6d: {  	s0 =	simm.s32 @!p0 $0x1  }
0x6e: {  	_ =	swait.ge @!p0 [sflag:s0], s1  }
0x6f: {  	s1 =	ssub.s32 @!p0 $0x0, s1;
	[sflag:s0] =	ssyncset.done @!p0 $0x0  }
0x70: {  	[sflag:s0] =	ssyncadd.s32 @!p0 s1  }
0x71: {  	[bflag:$0x3] =	sbarrier.arrive $0xFFFF  }
0x72: {  	_ =	shalt  }

</sc_bundles>
